<compile_context>
chip_gen: v7x
topology: tpu7x:2x2x1
jax: 0.10.2.dev20260603
libtpu: 0.0.44.dev20260713+nightly
codegen_flags: <defaults>
</compile_context>

<pallas_src>
import jax
import jax.numpy as jnp
from jax import lax
from jax.experimental import pallas as pl
from jax.experimental.pallas import tpu as pltpu
from jax.experimental.pallas import tpu_sc as plsc

VOCAB = 100000
EMBED_DIM = 1024
BATCH = 4
SEQ_LEN = 4096

_INFO = plsc.get_sparse_core_info()
NC, NS = _INFO.num_cores, _INFO.num_subcores
NW = NC * NS
TOTAL = BATCH * SEQ_LEN
B_PER_W = TOTAL // NW
W_PER_B = SEQ_LEN // B_PER_W
CHUNK = 8
N_CHUNKS = B_PER_W // CHUNK
NBUF = 8
LOOKAHEAD = NBUF - 1


def _gather_body(table_hbm, idx_hbm, out_hbm, idx_v, rows_v, gsem, osem, isem):
    wid = lax.axis_index("s") * NC + lax.axis_index("c")
    bat = wid // W_PER_B
    seq0 = (wid % W_PER_B) * B_PER_W

    HEAD = 128
    pltpu.sync_copy(idx_hbm.at[bat, pl.ds(seq0, HEAD)],
                    idx_v.at[pl.ds(0, HEAD)])
    pltpu.async_copy(idx_hbm.at[bat, pl.ds(seq0 + HEAD, B_PER_W - HEAD)],
                     idx_v.at[pl.ds(HEAD, B_PER_W - HEAD)], isem)

    def idx_slc(c):
        return idx_v.at[pl.ds(c * CHUNK, CHUNK)]

    def out_slc(c):
        return out_hbm.at[bat, pl.ds(seq0 + c * CHUNK, CHUNK)]

    def start_gather(c, b):
        pltpu.async_copy(table_hbm.at[idx_slc(c)], rows_v.at[b], gsem.at[b])

    def wait_gather(c, b):
        pltpu.make_async_copy(
            table_hbm.at[idx_slc(c)], rows_v.at[b], gsem.at[b]).wait()

    def start_wb(c, b):
        pltpu.async_copy(rows_v.at[b], out_slc(c), osem.at[b])

    def wait_wb(c, b):
        pltpu.make_async_copy(rows_v.at[b], out_slc(c), osem.at[b]).wait()

    for b in range(LOOKAHEAD):
        start_gather(b, b)

    pltpu.make_async_copy(
        idx_hbm.at[bat, pl.ds(seq0 + 128, B_PER_W - 128)],
        idx_v.at[pl.ds(128, B_PER_W - 128)], isem).wait()

    start_gather(LOOKAHEAD, LOOKAHEAD % NBUF)
    wait_gather(0, 0)
    start_wb(0, 0)

    @pl.loop(1, N_CHUNKS - LOOKAHEAD, step=NBUF)
    def _steady(g):
        for b in range(NBUF):
            j = g + b
            bj = (1 + b) % NBUF
            bp = b
            wait_wb(j - 1, bp)
            start_gather(j + LOOKAHEAD, bp)
            wait_gather(j, bj)
            start_wb(j, bj)

    for j in range(N_CHUNKS - LOOKAHEAD, N_CHUNKS):
        wait_wb(j - 1, (j - 1) % NBUF)
        wait_gather(j, j % NBUF)
        start_wb(j, j % NBUF)
    wait_wb(N_CHUNKS - 1, (N_CHUNKS - 1) % NBUF)


@jax.jit
def kernel(input_ids, embedding_table):
    idx = input_ids.astype(jnp.int32)
    mesh = plsc.VectorSubcoreMesh(core_axis_name="c", subcore_axis_name="s")
    return pl.kernel(
        _gather_body,
        out_type=jax.ShapeDtypeStruct((BATCH, SEQ_LEN, EMBED_DIM), jnp.float32),
        mesh=mesh,
        scratch_types=[
            pltpu.VMEM((B_PER_W,), jnp.int32),
            pltpu.VMEM((NBUF, CHUNK, EMBED_DIM), jnp.float32),
            pltpu.SemaphoreType.DMA((NBUF,)),
            pltpu.SemaphoreType.DMA((NBUF,)),
            pltpu.SemaphoreType.DMA,
        ],
    )(embedding_table, idx)

# --- scband reference (transcript-rebuilt; emitter-appended) ---
"""Pipeline reference for scband-text-encoder-19722489823962 (READ-ONLY COPY).

The authoritative reference and input builder live on the scoring server;
editing this copy changes nothing except your own understanding.
"""

import jax, jax.numpy as jnp
import numpy as np

VOCAB = 100000
EMBED_DIM = 1024
BATCH = 4
SEQ_LEN = 4096

def setup_inputs(seed: int = 0) -> dict:
    key = jax.random.key(seed)
    k_ids, k_tab = jax.random.split(key)
    input_ids = jax.random.randint(k_ids, (BATCH, SEQ_LEN), 0, VOCAB, dtype=jnp.int64 if jax.config.jax_enable_x64 else jnp.int32)
    embedding_table = jax.random.normal(k_tab, (VOCAB, EMBED_DIM), dtype=jnp.float32) * 0.02
    return {"input_ids": input_ids, "embedding_table": embedding_table}

def reference(input_ids, embedding_table):
    # nn.Embedding forward: row gather from the table
    return jnp.take(embedding_table, input_ids, axis=0)

if __name__ == "__main__":
    import jax
    _d = setup_inputs()
    print(jax.jit(kernel)(*tuple(_d.values())))

</pallas_src>

<mosaic_0001>
#map = affine_map<(d0, d1) -> (0, 0)>
#map1 = affine_map<(d0, d1) -> (0, 0, 0)>
module attributes {stable_mosaic.version = 14 : i64} {
  func.func @_gather_body(%arg0: i32, %arg1: i32, %arg2: memref<100000x1024xf32, #tpu.memory_space<hbm>>, %arg3: memref<4x4096xi32, #tpu.memory_space<hbm>>, %arg4: memref<4x4096x1024xf32, #tpu.memory_space<hbm>>, %arg5: memref<512xi32, #tpu.memory_space<vmem>>, %arg6: memref<8x8x1024xf32, #tpu.memory_space<vmem>>, %arg7: memref<8x!tpu.dma_semaphore, #tpu.memory_space<semaphore_mem>>, %arg8: memref<8x!tpu.dma_semaphore, #tpu.memory_space<semaphore_mem>>, %arg9: memref<!tpu.dma_semaphore, #tpu.memory_space<semaphore_mem>>) attributes {dimension_semantics = [#tpu.dimension_semantics<core_parallel>, #tpu.dimension_semantics<subcore_parallel>], iteration_bounds = array<i64: 2, 16>, scalar_prefetch = 0 : i64, scratch_operands = 5 : i64, tpu.core_type = #tpu.core_type<sc_vector_subcore>, window_params = [{transform_indices = #map}, {transform_indices = #map}, {transform_indices = #map1}]} {
    %mul3A = arith.constant 2 : i32
    %mul3A_0 = arith.muli %arg1, %mul3A : i32
    %add3A = arith.addi %mul3A_0, %arg0 : i32
    %jit3A = arith.constant 8 : i32
    %div3A = arith.divsi %add3A, %jit3A : i32
    %sign3A = arith.constant 0 : i32
    %sign3A_1 = arith.cmpi sgt, %add3A, %sign3A : i32
    %sign3A_2 = arith.extui %sign3A_1 : i1 to i32
    %sign3A_3 = arith.constant 0 : i32
    %sign3A_4 = arith.cmpi slt, %add3A, %sign3A_3 : i32
    %sign3A_5 = arith.extui %sign3A_4 : i1 to i32
    %sign3A_6 = arith.subi %sign3A_2, %sign3A_5 : i32
    %sign3A_7 = arith.constant 0 : i32
    %sign3A_8 = arith.cmpi sgt, %jit3A, %sign3A_7 : i32
    %sign3A_9 = arith.extui %sign3A_8 : i1 to i32
    %sign3A_10 = arith.constant 0 : i32
    %sign3A_11 = arith.cmpi slt, %jit3A, %sign3A_10 : i32
    %sign3A_12 = arith.extui %sign3A_11 : i1 to i32
    %sign3A_13 = arith.subi %sign3A_9, %sign3A_12 : i32
    %ne3A = arith.cmpi ne, %sign3A_6, %sign3A_13 : i32
    %rem3A = arith.remsi %add3A, %jit3A : i32
    %ne3A_14 = arith.constant 0 : i32
    %ne3A_15 = arith.cmpi ne, %rem3A, %ne3A_14 : i32
    %and3A = arith.andi %ne3A, %ne3A_15 : i1
    %sub3A = arith.constant 1 : i32
    %sub3A_16 = arith.subi %div3A, %sub3A : i32
    %select_n3A = arith.select %and3A, %sub3A_16, %div3A : i32
    %jit3A_17 = arith.constant 8 : i32
    %eq3A = arith.constant 0 : i32
    %eq3A_18 = arith.cmpi eq, %jit3A_17, %eq3A : i32
    %jit3A_19 = arith.constant 1 : i32
    %select_n3A_20 = arith.select %eq3A_18, %jit3A_19, %jit3A_17 : i32
    %rem3A_21 = arith.remsi %add3A, %select_n3A_20 : i32
    %ne3A_22 = arith.constant 0 : i32
    %ne3A_23 = arith.cmpi ne, %rem3A_21, %ne3A_22 : i32
    %lt3A = arith.constant 0 : i32
    %lt3A_24 = arith.cmpi slt, %rem3A_21, %lt3A : i32
    %lt3A_25 = arith.constant 0 : i32
    %lt3A_26 = arith.cmpi slt, %select_n3A_20, %lt3A_25 : i32
    %ne3A_27 = arith.xori %lt3A_24, %lt3A_26 : i1
    %and3A_28 = arith.andi %ne3A_27, %ne3A_23 : i1
    %add3A_29 = arith.addi %rem3A_21, %select_n3A_20 : i32
    %select_n3A_30 = arith.select %and3A_28, %add3A_29, %rem3A_21 : i32
    %mul3A_31 = arith.constant 512 : i32
    %mul3A_32 = arith.muli %select_n3A_30, %mul3A_31 : i32
    "tpu.region"() ({
      %run_scoped3A = tpu.sem_alloc : memref<!tpu.dma_semaphore, #tpu.memory_space<semaphore_mem>>
      %dma_start3A_583 = arith.constant 0 : i32
      %dma_start3A_584 = tpu.memref_slice %arg5[%dma_start3A_583] : memref<512xi32, #tpu.memory_space<vmem>> -> memref<128xi32, #tpu.memory_space<vmem>>
      %dma_start3A_585 = tpu.memref_slice %arg3[%select_n3A, %mul3A_32] : memref<4x4096xi32, #tpu.memory_space<hbm>> -> memref<1x128xi32, #tpu.memory_space<hbm>>
      %dma_start3A_586 = tpu.memref_squeeze %dma_start3A_585 : memref<1x128xi32, #tpu.memory_space<hbm>> -> memref<128xi32, #tpu.memory_space<hbm>>
      %dma_start3A_587 = arith.constant 0 : i32
      %dma_start3A_588 = tpu.memref_slice %arg5[%dma_start3A_587] : memref<512xi32, #tpu.memory_space<vmem>> -> memref<128xi32, #tpu.memory_space<vmem>>
      %dma_start3A_589 = tpu.memref_slice %arg3[%select_n3A, %mul3A_32] : memref<4x4096xi32, #tpu.memory_space<hbm>> -> memref<1x128xi32, #tpu.memory_space<hbm>>
      %dma_start3A_590 = tpu.memref_squeeze %dma_start3A_589 : memref<1x128xi32, #tpu.memory_space<hbm>> -> memref<128xi32, #tpu.memory_space<hbm>>
      tpu.enqueue_dma source(%dma_start3A_590 : memref<128xi32, #tpu.memory_space<hbm>>) target(%dma_start3A_588 : memref<128xi32, #tpu.memory_space<vmem>>) target_semaphore(%run_scoped3A : memref<!tpu.dma_semaphore, #tpu.memory_space<semaphore_mem>>)
      %dma_wait3A_591 = arith.constant 0 : i32
      %dma_wait3A_592 = tpu.memref_slice %arg5[%dma_wait3A_591] : memref<512xi32, #tpu.memory_space<vmem>> -> memref<128xi32, #tpu.memory_space<vmem>>
      %dma_wait3A_593 = tpu.memref_slice %arg3[%select_n3A, %mul3A_32] : memref<4x4096xi32, #tpu.memory_space<hbm>> -> memref<1x128xi32, #tpu.memory_space<hbm>>
      %dma_wait3A_594 = tpu.memref_squeeze %dma_wait3A_593 : memref<1x128xi32, #tpu.memory_space<hbm>> -> memref<128xi32, #tpu.memory_space<hbm>>
      %dma_wait3A_595 = arith.constant 0 : i32
      %dma_wait3A_596 = tpu.memref_slice %arg5[%dma_wait3A_595] : memref<512xi32, #tpu.memory_space<vmem>> -> memref<128xi32, #tpu.memory_space<vmem>>
      %dma_wait3A_597 = tpu.memref_slice %arg3[%select_n3A, %mul3A_32] : memref<4x4096xi32, #tpu.memory_space<hbm>> -> memref<1x128xi32, #tpu.memory_space<hbm>>
      %dma_wait3A_598 = tpu.memref_squeeze %dma_wait3A_597 : memref<1x128xi32, #tpu.memory_space<hbm>> -> memref<128xi32, #tpu.memory_space<hbm>>
      tpu.wait_dma2 semaphore(%run_scoped3A : memref<!tpu.dma_semaphore, #tpu.memory_space<semaphore_mem>>) src(%dma_wait3A_598 : memref<128xi32, #tpu.memory_space<hbm>>) dst(%dma_wait3A_596 : memref<128xi32, #tpu.memory_space<vmem>>)
      tpu.yield
    }) : () -> ()
    %add3A_33 = arith.constant 128 : i32
    %add3A_34 = arith.addi %mul3A_32, %add3A_33 : i32
    %dma_start3A = arith.constant 128 : i32
    %dma_start3A_35 = tpu.memref_slice %arg5[%dma_start3A] : memref<512xi32, #tpu.memory_space<vmem>> -> memref<384xi32, #tpu.memory_space<vmem>>
    %dma_start3A_36 = tpu.memref_slice %arg3[%select_n3A, %add3A_34] : memref<4x4096xi32, #tpu.memory_space<hbm>> -> memref<1x384xi32, #tpu.memory_space<hbm>>
    %dma_start3A_37 = tpu.memref_squeeze %dma_start3A_36 : memref<1x384xi32, #tpu.memory_space<hbm>> -> memref<384xi32, #tpu.memory_space<hbm>>
    %dma_start3A_38 = arith.constant 128 : i32
    %dma_start3A_39 = tpu.memref_slice %arg5[%dma_start3A_38] : memref<512xi32, #tpu.memory_space<vmem>> -> memref<384xi32, #tpu.memory_space<vmem>>
    %dma_start3A_40 = tpu.memref_slice %arg3[%select_n3A, %add3A_34] : memref<4x4096xi32, #tpu.memory_space<hbm>> -> memref<1x384xi32, #tpu.memory_space<hbm>>
    %dma_start3A_41 = tpu.memref_squeeze %dma_start3A_40 : memref<1x384xi32, #tpu.memory_space<hbm>> -> memref<384xi32, #tpu.memory_space<hbm>>
    tpu.enqueue_dma source(%dma_start3A_41 : memref<384xi32, #tpu.memory_space<hbm>>) target(%dma_start3A_39 : memref<384xi32, #tpu.memory_space<vmem>>) target_semaphore(%arg9 : memref<!tpu.dma_semaphore, #tpu.memory_space<semaphore_mem>>)
    %dma_start3A_42 = arith.constant 0 : i32
    %dma_start3A_43 = arith.constant 0 : i32
    %dma_start3A_44 = arith.constant 0 : i32
    %dma_start3A_45 = arith.constant 0 : i32
    %dma_start3A_46 = tpu.memref_slice %arg6[%dma_start3A_42, %dma_start3A_44, %dma_start3A_45] : memref<8x8x1024xf32, #tpu.memory_space<vmem>> -> memref<1x8x1024xf32, #tpu.memory_space<vmem>>
    %dma_start3A_47 = tpu.memref_squeeze %dma_start3A_46 : memref<1x8x1024xf32, #tpu.memory_space<vmem>> -> memref<8x1024xf32, #tpu.memory_space<vmem>>
    %dma_start3A_48 = arith.constant 0 : i32
    %dma_start3A_49 = tpu.memref_slice %arg5[%dma_start3A_48] : memref<512xi32, #tpu.memory_space<vmem>> -> memref<8xi32, #tpu.memory_space<vmem>>
    %dma_start3A_50 = arith.constant 0 : i32
    %dma_start3A_51 = arith.constant 0 : i32
    %dma_start3A_52 = tpu.memref_slice %arg2[%dma_start3A_50, %dma_start3A_51] : memref<100000x1024xf32, #tpu.memory_space<hbm>> -> memref<100000x1024xf32, #tpu.memory_space<hbm>>
    %dma_start3A_53 = tpu.memref_slice %arg7[%dma_start3A_43] : memref<8x!tpu.dma_semaphore, #tpu.memory_space<semaphore_mem>> -> memref<1x!tpu.dma_semaphore, #tpu.memory_space<semaphore_mem>>
    %dma_start3A_54 = tpu.memref_squeeze %dma_start3A_53 : memref<1x!tpu.dma_semaphore, #tpu.memory_space<semaphore_mem>> -> memref<!tpu.dma_semaphore, #tpu.memory_space<semaphore_mem>>
    tpu.enqueue_indirect_dma source(%dma_start3A_52 : memref<100000x1024xf32, #tpu.memory_space<hbm>>) target(%dma_start3A_47 : memref<8x1024xf32, #tpu.memory_space<vmem>>) offsets(%dma_start3A_49 : memref<8xi32, #tpu.memory_space<vmem>>) semaphore(%dma_start3A_54 : memref<!tpu.dma_semaphore, #tpu.memory_space<semaphore_mem>>)
    %dma_start3A_55 = arith.constant 1 : i32
    %dma_start3A_56 = arith.constant 1 : i32
    %dma_start3A_57 = arith.constant 0 : i32
    %dma_start3A_58 = arith.constant 0 : i32
    %dma_start3A_59 = tpu.memref_slice %arg6[%dma_start3A_55, %dma_start3A_57, %dma_start3A_58] : memref<8x8x1024xf32, #tpu.memory_space<vmem>> -> memref<1x8x1024xf32, #tpu.memory_space<vmem>>
    %dma_start3A_60 = tpu.memref_squeeze %dma_start3A_59 : memref<1x8x1024xf32, #tpu.memory_space<vmem>> -> memref<8x1024xf32, #tpu.memory_space<vmem>>
    %dma_start3A_61 = arith.constant 8 : i32
    %dma_start3A_62 = tpu.memref_slice %arg5[%dma_start3A_61] : memref<512xi32, #tpu.memory_space<vmem>> -> memref<8xi32, #tpu.memory_space<vmem>>
    %dma_start3A_63 = arith.constant 0 : i32
    %dma_start3A_64 = arith.constant 0 : i32
    %dma_start3A_65 = tpu.memref_slice %arg2[%dma_start3A_63, %dma_start3A_64] : memref<100000x1024xf32, #tpu.memory_space<hbm>> -> memref<100000x1024xf32, #tpu.memory_space<hbm>>
    %dma_start3A_66 = tpu.memref_slice %arg7[%dma_start3A_56] : memref<8x!tpu.dma_semaphore, #tpu.memory_space<semaphore_mem>> -> memref<1x!tpu.dma_semaphore, #tpu.memory_space<semaphore_mem>>
    %dma_start3A_67 = tpu.memref_squeeze %dma_start3A_66 : memref<1x!tpu.dma_semaphore, #tpu.memory_space<semaphore_mem>> -> memref<!tpu.dma_semaphore, #tpu.memory_space<semaphore_mem>>
    tpu.enqueue_indirect_dma source(%dma_start3A_65 : memref<100000x1024xf32, #tpu.memory_space<hbm>>) target(%dma_start3A_60 : memref<8x1024xf32, #tpu.memory_space<vmem>>) offsets(%dma_start3A_62 : memref<8xi32, #tpu.memory_space<vmem>>) semaphore(%dma_start3A_67 : memref<!tpu.dma_semaphore, #tpu.memory_space<semaphore_mem>>)
    %dma_start3A_68 = arith.constant 2 : i32
    %dma_start3A_69 = arith.constant 2 : i32
    %dma_start3A_70 = arith.constant 0 : i32
    %dma_start3A_71 = arith.constant 0 : i32
    %dma_start3A_72 = tpu.memref_slice %arg6[%dma_start3A_68, %dma_start3A_70, %dma_start3A_71] : memref<8x8x1024xf32, #tpu.memory_space<vmem>> -> memref<1x8x1024xf32, #tpu.memory_space<vmem>>
    %dma_start3A_73 = tpu.memref_squeeze %dma_start3A_72 : memref<1x8x1024xf32, #tpu.memory_space<vmem>> -> memref<8x1024xf32, #tpu.memory_space<vmem>>
    %dma_start3A_74 = arith.constant 16 : i32
    %dma_start3A_75 = tpu.memref_slice %arg5[%dma_start3A_74] : memref<512xi32, #tpu.memory_space<vmem>> -> memref<8xi32, #tpu.memory_space<vmem>>
    %dma_start3A_76 = arith.constant 0 : i32
    %dma_start3A_77 = arith.constant 0 : i32
    %dma_start3A_78 = tpu.memref_slice %arg2[%dma_start3A_76, %dma_start3A_77] : memref<100000x1024xf32, #tpu.memory_space<hbm>> -> memref<100000x1024xf32, #tpu.memory_space<hbm>>
    %dma_start3A_79 = tpu.memref_slice %arg7[%dma_start3A_69] : memref<8x!tpu.dma_semaphore, #tpu.memory_space<semaphore_mem>> -> memref<1x!tpu.dma_semaphore, #tpu.memory_space<semaphore_mem>>
    %dma_start3A_80 = tpu.memref_squeeze %dma_start3A_79 : memref<1x!tpu.dma_semaphore, #tpu.memory_space<semaphore_mem>> -> memref<!tpu.dma_semaphore, #tpu.memory_space<semaphore_mem>>
    tpu.enqueue_indirect_dma source(%dma_start3A_78 : memref<100000x1024xf32, #tpu.memory_space<hbm>>) target(%dma_start3A_73 : memref<8x1024xf32, #tpu.memory_space<vmem>>) offsets(%dma_start3A_75 : memref<8xi32, #tpu.memory_space<vmem>>) semaphore(%dma_start3A_80 : memref<!tpu.dma_semaphore, #tpu.memory_space<semaphore_mem>>)
    %dma_start3A_81 = arith.constant 3 : i32
    %dma_start3A_82 = arith.constant 3 : i32
    %dma_start3A_83 = arith.constant 0 : i32
    %dma_start3A_84 = arith.constant 0 : i32
    %dma_start3A_85 = tpu.memref_slice %arg6[%dma_start3A_81, %dma_start3A_83, %dma_start3A_84] : memref<8x8x1024xf32, #tpu.memory_space<vmem>> -> memref<1x8x1024xf32, #tpu.memory_space<vmem>>
    %dma_start3A_86 = tpu.memref_squeeze %dma_start3A_85 : memref<1x8x1024xf32, #tpu.memory_space<vmem>> -> memref<8x1024xf32, #tpu.memory_space<vmem>>
    %dma_start3A_87 = arith.constant 24 : i32
    %dma_start3A_88 = tpu.memref_slice %arg5[%dma_start3A_87] : memref<512xi32, #tpu.memory_space<vmem>> -> memref<8xi32, #tpu.memory_space<vmem>>
    %dma_start3A_89 = arith.constant 0 : i32
    %dma_start3A_90 = arith.constant 0 : i32
    %dma_start3A_91 = tpu.memref_slice %arg2[%dma_start3A_89, %dma_start3A_90] : memref<100000x1024xf32, #tpu.memory_space<hbm>> -> memref<100000x1024xf32, #tpu.memory_space<hbm>>
    %dma_start3A_92 = tpu.memref_slice %arg7[%dma_start3A_82] : memref<8x!tpu.dma_semaphore, #tpu.memory_space<semaphore_mem>> -> memref<1x!tpu.dma_semaphore, #tpu.memory_space<semaphore_mem>>
    %dma_start3A_93 = tpu.memref_squeeze %dma_start3A_92 : memref<1x!tpu.dma_semaphore, #tpu.memory_space<semaphore_mem>> -> memref<!tpu.dma_semaphore, #tpu.memory_space<semaphore_mem>>
    tpu.enqueue_indirect_dma source(%dma_start3A_91 : memref<100000x1024xf32, #tpu.memory_space<hbm>>) target(%dma_start3A_86 : memref<8x1024xf32, #tpu.memory_space<vmem>>) offsets(%dma_start3A_88 : memref<8xi32, #tpu.memory_space<vmem>>) semaphore(%dma_start3A_93 : memref<!tpu.dma_semaphore, #tpu.memory_space<semaphore_mem>>)
    %dma_start3A_94 = arith.constant 4 : i32
    %dma_start3A_95 = arith.constant 4 : i32
    %dma_start3A_96 = arith.constant 0 : i32
    %dma_start3A_97 = arith.constant 0 : i32
    %dma_start3A_98 = tpu.memref_slice %arg6[%dma_start3A_94, %dma_start3A_96, %dma_start3A_97] : memref<8x8x1024xf32, #tpu.memory_space<vmem>> -> memref<1x8x1024xf32, #tpu.memory_space<vmem>>
    %dma_start3A_99 = tpu.memref_squeeze %dma_start3A_98 : memref<1x8x1024xf32, #tpu.memory_space<vmem>> -> memref<8x1024xf32, #tpu.memory_space<vmem>>
    %dma_start3A_100 = arith.constant 32 : i32
    %dma_start3A_101 = tpu.memref_slice %arg5[%dma_start3A_100] : memref<512xi32, #tpu.memory_space<vmem>> -> memref<8xi32, #tpu.memory_space<vmem>>
    %dma_start3A_102 = arith.constant 0 : i32
    %dma_start3A_103 = arith.constant 0 : i32
    %dma_start3A_104 = tpu.memref_slice %arg2[%dma_start3A_102, %dma_start3A_103] : memref<100000x1024xf32, #tpu.memory_space<hbm>> -> memref<100000x1024xf32, #tpu.memory_space<hbm>>
    %dma_start3A_105 = tpu.memref_slice %arg7[%dma_start3A_95] : memref<8x!tpu.dma_semaphore, #tpu.memory_space<semaphore_mem>> -> memref<1x!tpu.dma_semaphore, #tpu.memory_space<semaphore_mem>>
    %dma_start3A_106 = tpu.memref_squeeze %dma_start3A_105 : memref<1x!tpu.dma_semaphore, #tpu.memory_space<semaphore_mem>> -> memref<!tpu.dma_semaphore, #tpu.memory_space<semaphore_mem>>
    tpu.enqueue_indirect_dma source(%dma_start3A_104 : memref<100000x1024xf32, #tpu.memory_space<hbm>>) target(%dma_start3A_99 : memref<8x1024xf32, #tpu.memory_space<vmem>>) offsets(%dma_start3A_101 : memref<8xi32, #tpu.memory_space<vmem>>) semaphore(%dma_start3A_106 : memref<!tpu.dma_semaphore, #tpu.memory_space<semaphore_mem>>)
    %dma_start3A_107 = arith.constant 5 : i32
    %dma_start3A_108 = arith.constant 5 : i32
    %dma_start3A_109 = arith.constant 0 : i32
    %dma_start3A_110 = arith.constant 0 : i32
    %dma_start3A_111 = tpu.memref_slice %arg6[%dma_start3A_107, %dma_start3A_109, %dma_start3A_110] : memref<8x8x1024xf32, #tpu.memory_space<vmem>> -> memref<1x8x1024xf32, #tpu.memory_space<vmem>>
    %dma_start3A_112 = tpu.memref_squeeze %dma_start3A_111 : memref<1x8x1024xf32, #tpu.memory_space<vmem>> -> memref<8x1024xf32, #tpu.memory_space<vmem>>
    %dma_start3A_113 = arith.constant 40 : i32
    %dma_start3A_114 = tpu.memref_slice %arg5[%dma_start3A_113] : memref<512xi32, #tpu.memory_space<vmem>> -> memref<8xi32, #tpu.memory_space<vmem>>
    %dma_start3A_115 = arith.constant 0 : i32
    %dma_start3A_116 = arith.constant 0 : i32
    %dma_start3A_117 = tpu.memref_slice %arg2[%dma_start3A_115, %dma_start3A_116] : memref<100000x1024xf32, #tpu.memory_space<hbm>> -> memref<100000x1024xf32, #tpu.memory_space<hbm>>
    %dma_start3A_118 = tpu.memref_slice %arg7[%dma_start3A_108] : memref<8x!tpu.dma_semaphore, #tpu.memory_space<semaphore_mem>> -> memref<1x!tpu.dma_semaphore, #tpu.memory_space<semaphore_mem>>
    %dma_start3A_119 = tpu.memref_squeeze %dma_start3A_118 : memref<1x!tpu.dma_semaphore, #tpu.memory_space<semaphore_mem>> -> memref<!tpu.dma_semaphore, #tpu.memory_space<semaphore_mem>>
    tpu.enqueue_indirect_dma source(%dma_start3A_117 : memref<100000x1024xf32, #tpu.memory_space<hbm>>) target(%dma_start3A_112 : memref<8x1024xf32, #tpu.memory_space<vmem>>) offsets(%dma_start3A_114 : memref<8xi32, #tpu.memory_space<vmem>>) semaphore(%dma_start3A_119 : memref<!tpu.dma_semaphore, #tpu.memory_space<semaphore_mem>>)
    %dma_start3A_120 = arith.constant 6 : i32
    %dma_start3A_121 = arith.constant 6 : i32
    %dma_start3A_122 = arith.constant 0 : i32
    %dma_start3A_123 = arith.constant 0 : i32
    %dma_start3A_124 = tpu.memref_slice %arg6[%dma_start3A_120, %dma_start3A_122, %dma_start3A_123] : memref<8x8x1024xf32, #tpu.memory_space<vmem>> -> memref<1x8x1024xf32, #tpu.memory_space<vmem>>
    %dma_start3A_125 = tpu.memref_squeeze %dma_start3A_124 : memref<1x8x1024xf32, #tpu.memory_space<vmem>> -> memref<8x1024xf32, #tpu.memory_space<vmem>>
    %dma_start3A_126 = arith.constant 48 : i32
    %dma_start3A_127 = tpu.memref_slice %arg5[%dma_start3A_126] : memref<512xi32, #tpu.memory_space<vmem>> -> memref<8xi32, #tpu.memory_space<vmem>>
    %dma_start3A_128 = arith.constant 0 : i32
    %dma_start3A_129 = arith.constant 0 : i32
    %dma_start3A_130 = tpu.memref_slice %arg2[%dma_start3A_128, %dma_start3A_129] : memref<100000x1024xf32, #tpu.memory_space<hbm>> -> memref<100000x1024xf32, #tpu.memory_space<hbm>>
    %dma_start3A_131 = tpu.memref_slice %arg7[%dma_start3A_121] : memref<8x!tpu.dma_semaphore, #tpu.memory_space<semaphore_mem>> -> memref<1x!tpu.dma_semaphore, #tpu.memory_space<semaphore_mem>>
    %dma_start3A_132 = tpu.memref_squeeze %dma_start3A_131 : memref<1x!tpu.dma_semaphore, #tpu.memory_space<semaphore_mem>> -> memref<!tpu.dma_semaphore, #tpu.memory_space<semaphore_mem>>
    tpu.enqueue_indirect_dma source(%dma_start3A_130 : memref<100000x1024xf32, #tpu.memory_space<hbm>>) target(%dma_start3A_125 : memref<8x1024xf32, #tpu.memory_space<vmem>>) offsets(%dma_start3A_127 : memref<8xi32, #tpu.memory_space<vmem>>) semaphore(%dma_start3A_132 : memref<!tpu.dma_semaphore, #tpu.memory_space<semaphore_mem>>)
    %add3A_133 = arith.constant 128 : i32
    %add3A_134 = arith.addi %mul3A_32, %add3A_133 : i32
    %dma_wait3A = arith.constant 128 : i32
    %dma_wait3A_135 = tpu.memref_slice %arg5[%dma_wait3A] : memref<512xi32, #tpu.memory_space<vmem>> -> memref<384xi32, #tpu.memory_space<vmem>>
    %dma_wait3A_136 = tpu.memref_slice %arg3[%select_n3A, %add3A_134] : memref<4x4096xi32, #tpu.memory_space<hbm>> -> memref<1x384xi32, #tpu.memory_space<hbm>>
    %dma_wait3A_137 = tpu.memref_squeeze %dma_wait3A_136 : memref<1x384xi32, #tpu.memory_space<hbm>> -> memref<384xi32, #tpu.memory_space<hbm>>
    %dma_wait3A_138 = arith.constant 128 : i32
    %dma_wait3A_139 = tpu.memref_slice %arg5[%dma_wait3A_138] : memref<512xi32, #tpu.memory_space<vmem>> -> memref<384xi32, #tpu.memory_space<vmem>>
    %dma_wait3A_140 = tpu.memref_slice %arg3[%select_n3A, %add3A_134] : memref<4x4096xi32, #tpu.memory_space<hbm>> -> memref<1x384xi32, #tpu.memory_space<hbm>>
    %dma_wait3A_141 = tpu.memref_squeeze %dma_wait3A_140 : memref<1x384xi32, #tpu.memory_space<hbm>> -> memref<384xi32, #tpu.memory_space<hbm>>
    tpu.wait_dma2 semaphore(%arg9 : memref<!tpu.dma_semaphore, #tpu.memory_space<semaphore_mem>>) src(%dma_wait3A_141 : memref<384xi32, #tpu.memory_space<hbm>>) dst(%dma_wait3A_139 : memref<384xi32, #tpu.memory_space<vmem>>)
    %dma_start3A_142 = arith.constant 7 : i32
    %dma_start3A_143 = arith.constant 7 : i32
    %dma_start3A_144 = arith.constant 0 : i32
    %dma_start3A_145 = arith.constant 0 : i32
    %dma_start3A_146 = tpu.memref_slice %arg6[%dma_start3A_142, %dma_start3A_144, %dma_start3A_145] : memref<8x8x1024xf32, #tpu.memory_space<vmem>> -> memref<1x8x1024xf32, #tpu.memory_space<vmem>>
    %dma_start3A_147 = tpu.memref_squeeze %dma_start3A_146 : memref<1x8x1024xf32, #tpu.memory_space<vmem>> -> memref<8x1024xf32, #tpu.memory_space<vmem>>
    %dma_start3A_148 = arith.constant 56 : i32
    %dma_start3A_149 = tpu.memref_slice %arg5[%dma_start3A_148] : memref<512xi32, #tpu.memory_space<vmem>> -> memref<8xi32, #tpu.memory_space<vmem>>
    %dma_start3A_150 = arith.constant 0 : i32
    %dma_start3A_151 = arith.constant 0 : i32
    %dma_start3A_152 = tpu.memref_slice %arg2[%dma_start3A_150, %dma_start3A_151] : memref<100000x1024xf32, #tpu.memory_space<hbm>> -> memref<100000x1024xf32, #tpu.memory_space<hbm>>
    %dma_start3A_153 = tpu.memref_slice %arg7[%dma_start3A_143] : memref<8x!tpu.dma_semaphore, #tpu.memory_space<semaphore_mem>> -> memref<1x!tpu.dma_semaphore, #tpu.memory_space<semaphore_mem>>
    %dma_start3A_154 = tpu.memref_squeeze %dma_start3A_153 : memref<1x!tpu.dma_semaphore, #tpu.memory_space<semaphore_mem>> -> memref<!tpu.dma_semaphore, #tpu.memory_space<semaphore_mem>>
    tpu.enqueue_indirect_dma source(%dma_start3A_152 : memref<100000x1024xf32, #tpu.memory_space<hbm>>) target(%dma_start3A_147 : memref<8x1024xf32, #tpu.memory_space<vmem>>) offsets(%dma_start3A_149 : memref<8xi32, #tpu.memory_space<vmem>>) semaphore(%dma_start3A_154 : memref<!tpu.dma_semaphore, #tpu.memory_space<semaphore_mem>>)
    %dma_wait3A_155 = arith.constant 0 : i32
    %dma_wait3A_156 = arith.constant 0 : i32
    %dma_wait3A_157 = arith.constant 0 : i32
    %dma_wait3A_158 = arith.constant 0 : i32
    %dma_wait3A_159 = tpu.memref_slice %arg6[%dma_wait3A_155, %dma_wait3A_157, %dma_wait3A_158] : memref<8x8x1024xf32, #tpu.memory_space<vmem>> -> memref<1x8x1024xf32, #tpu.memory_space<vmem>>
    %dma_wait3A_160 = tpu.memref_squeeze %dma_wait3A_159 : memref<1x8x1024xf32, #tpu.memory_space<vmem>> -> memref<8x1024xf32, #tpu.memory_space<vmem>>
    %dma_wait3A_161 = arith.constant 0 : i32
    %dma_wait3A_162 = tpu.memref_slice %arg5[%dma_wait3A_161] : memref<512xi32, #tpu.memory_space<vmem>> -> memref<8xi32, #tpu.memory_space<vmem>>
    %dma_wait3A_163 = arith.constant 0 : i32
    %dma_wait3A_164 = arith.constant 0 : i32
    %dma_wait3A_165 = tpu.memref_slice %arg2[%dma_wait3A_163, %dma_wait3A_164] : memref<100000x1024xf32, #tpu.memory_space<hbm>> -> memref<100000x1024xf32, #tpu.memory_space<hbm>>
    %dma_wait3A_166 = tpu.memref_slice %arg7[%dma_wait3A_156] : memref<8x!tpu.dma_semaphore, #tpu.memory_space<semaphore_mem>> -> memref<1x!tpu.dma_semaphore, #tpu.memory_space<semaphore_mem>>
    %dma_wait3A_167 = tpu.memref_squeeze %dma_wait3A_166 : memref<1x!tpu.dma_semaphore, #tpu.memory_space<semaphore_mem>> -> memref<!tpu.dma_semaphore, #tpu.memory_space<semaphore_mem>>
    tpu.wait_indirect_dma semaphore(%dma_wait3A_167 : memref<!tpu.dma_semaphore, #tpu.memory_space<semaphore_mem>>) src(%dma_wait3A_165 : memref<100000x1024xf32, #tpu.memory_space<hbm>>) dst(%dma_wait3A_160 : memref<8x1024xf32, #tpu.memory_space<vmem>>)
    %add3A_168 = arith.constant 0 : i32
    %add3A_169 = arith.addi %mul3A_32, %add3A_168 : i32
    %dma_start3A_170 = arith.constant 0 : i32
    %dma_start3A_171 = arith.constant 0 : i32
    %dma_start3A_172 = arith.constant 0 : i32
    %dma_start3A_173 = arith.constant 0 : i32
    %dma_start3A_174 = tpu.memref_slice %arg6[%dma_start3A_170, %dma_start3A_172, %dma_start3A_173] : memref<8x8x1024xf32, #tpu.memory_space<vmem>> -> memref<1x8x1024xf32, #tpu.memory_space<vmem>>
    %dma_start3A_175 = tpu.memref_squeeze %dma_start3A_174 : memref<1x8x1024xf32, #tpu.memory_space<vmem>> -> memref<8x1024xf32, #tpu.memory_space<vmem>>
    %dma_start3A_176 = arith.constant 0 : i32
    %dma_start3A_177 = tpu.memref_slice %arg4[%select_n3A, %add3A_169, %dma_start3A_176] : memref<4x4096x1024xf32, #tpu.memory_space<hbm>> -> memref<1x8x1024xf32, #tpu.memory_space<hbm>>
    %dma_start3A_178 = tpu.memref_squeeze %dma_start3A_177 : memref<1x8x1024xf32, #tpu.memory_space<hbm>> -> memref<8x1024xf32, #tpu.memory_space<hbm>>
    %dma_start3A_179 = tpu.memref_slice %arg8[%dma_start3A_171] : memref<8x!tpu.dma_semaphore, #tpu.memory_space<semaphore_mem>> -> memref<1x!tpu.dma_semaphore, #tpu.memory_space<semaphore_mem>>
    %dma_start3A_180 = tpu.memref_squeeze %dma_start3A_179 : memref<1x!tpu.dma_semaphore, #tpu.memory_space<semaphore_mem>> -> memref<!tpu.dma_semaphore, #tpu.memory_space<semaphore_mem>>
    %dma_start3A_181 = arith.constant 0 : i32
    %dma_start3A_182 = tpu.memref_slice %arg4[%select_n3A, %add3A_169, %dma_start3A_181] : memref<4x4096x1024xf32, #tpu.memory_space<hbm>> -> memref<1x8x1024xf32, #tpu.memory_space<hbm>>
    %dma_start3A_183 = tpu.memref_squeeze %dma_start3A_182 : memref<1x8x1024xf32, #tpu.memory_space<hbm>> -> memref<8x1024xf32, #tpu.memory_space<hbm>>
    %dma_start3A_184 = arith.constant 0 : i32
    %dma_start3A_185 = arith.constant 0 : i32
    %dma_start3A_186 = tpu.memref_slice %arg6[%dma_start3A_170, %dma_start3A_184, %dma_start3A_185] : memref<8x8x1024xf32, #tpu.memory_space<vmem>> -> memref<1x8x1024xf32, #tpu.memory_space<vmem>>
    %dma_start3A_187 = tpu.memref_squeeze %dma_start3A_186 : memref<1x8x1024xf32, #tpu.memory_space<vmem>> -> memref<8x1024xf32, #tpu.memory_space<vmem>>
    tpu.enqueue_dma source(%dma_start3A_187 : memref<8x1024xf32, #tpu.memory_space<vmem>>) target(%dma_start3A_183 : memref<8x1024xf32, #tpu.memory_space<hbm>>) target_semaphore(%dma_start3A_180 : memref<!tpu.dma_semaphore, #tpu.memory_space<semaphore_mem>>)
    %scan3A = arith.constant 0 : i32
    %scan3A_188 = arith.constant 7 : i32
    %scan3A_189 = arith.addi %scan3A, %scan3A_188 : i32
    %scan3A_190 = arith.constant 1 : i32
    scf.for %scan3A_583 = %scan3A to %scan3A_189 step %scan3A_190  : i32 {
      %mul3A_584 = arith.constant 8 : i32
      %mul3A_585 = arith.muli %scan3A_583, %mul3A_584 : i32
      %add3A_586 = arith.constant 1 : i32
      %add3A_587 = arith.addi %add3A_586, %mul3A_585 : i32
      %add3A_588 = arith.constant 0 : i32
      %add3A_589 = arith.addi %add3A_587, %add3A_588 : i32
      %sub3A_590 = arith.constant 1 : i32
      %sub3A_591 = arith.subi %add3A_589, %sub3A_590 : i32
      %mul3A_592 = arith.constant 8 : i32
      %mul3A_593 = arith.muli %sub3A_591, %mul3A_592 : i32
      %add3A_594 = arith.addi %mul3A_32, %mul3A_593 : i32
      %dma_wait3A_595 = arith.constant 0 : i32
      %dma_wait3A_596 = arith.constant 0 : i32
      %dma_wait3A_597 = arith.constant 0 : i32
      %dma_wait3A_598 = arith.constant 0 : i32
      %dma_wait3A_599 = tpu.memref_slice %arg6[%dma_wait3A_595, %dma_wait3A_597, %dma_wait3A_598] : memref<8x8x1024xf32, #tpu.memory_space<vmem>> -> memref<1x8x1024xf32, #tpu.memory_space<vmem>>
      %dma_wait3A_600 = tpu.memref_squeeze %dma_wait3A_599 : memref<1x8x1024xf32, #tpu.memory_space<vmem>> -> memref<8x1024xf32, #tpu.memory_space<vmem>>
      %dma_wait3A_601 = arith.constant 0 : i32
      %dma_wait3A_602 = tpu.memref_slice %arg4[%select_n3A, %add3A_594, %dma_wait3A_601] : memref<4x4096x1024xf32, #tpu.memory_space<hbm>> -> memref<1x8x1024xf32, #tpu.memory_space<hbm>>
      %dma_wait3A_603 = tpu.memref_squeeze %dma_wait3A_602 : memref<1x8x1024xf32, #tpu.memory_space<hbm>> -> memref<8x1024xf32, #tpu.memory_space<hbm>>
      %dma_wait3A_604 = tpu.memref_slice %arg8[%dma_wait3A_596] : memref<8x!tpu.dma_semaphore, #tpu.memory_space<semaphore_mem>> -> memref<1x!tpu.dma_semaphore, #tpu.memory_space<semaphore_mem>>
      %dma_wait3A_605 = tpu.memref_squeeze %dma_wait3A_604 : memref<1x!tpu.dma_semaphore, #tpu.memory_space<semaphore_mem>> -> memref<!tpu.dma_semaphore, #tpu.memory_space<semaphore_mem>>
      %dma_wait3A_606 = arith.constant 0 : i32
      %dma_wait3A_607 = tpu.memref_slice %arg4[%select_n3A, %add3A_594, %dma_wait3A_606] : memref<4x4096x1024xf32, #tpu.memory_space<hbm>> -> memref<1x8x1024xf32, #tpu.memory_space<hbm>>
      %dma_wait3A_608 = tpu.memref_squeeze %dma_wait3A_607 : memref<1x8x1024xf32, #tpu.memory_space<hbm>> -> memref<8x1024xf32, #tpu.memory_space<hbm>>
      %dma_wait3A_609 = arith.constant 0 : i32
      %dma_wait3A_610 = arith.constant 0 : i32
      %dma_wait3A_611 = tpu.memref_slice %arg6[%dma_wait3A_595, %dma_wait3A_609, %dma_wait3A_610] : memref<8x8x1024xf32, #tpu.memory_space<vmem>> -> memref<1x8x1024xf32, #tpu.memory_space<vmem>>
      %dma_wait3A_612 = tpu.memref_squeeze %dma_wait3A_611 : memref<1x8x1024xf32, #tpu.memory_space<vmem>> -> memref<8x1024xf32, #tpu.memory_space<vmem>>
      tpu.wait_dma2 semaphore(%dma_wait3A_605 : memref<!tpu.dma_semaphore, #tpu.memory_space<semaphore_mem>>) src(%dma_wait3A_612 : memref<8x1024xf32, #tpu.memory_space<vmem>>) dst(%dma_wait3A_608 : memref<8x1024xf32, #tpu.memory_space<hbm>>)
      %add3A_613 = arith.constant 7 : i32
      %add3A_614 = arith.addi %add3A_589, %add3A_613 : i32
      %mul3A_615 = arith.constant 8 : i32
      %mul3A_616 = arith.muli %add3A_614, %mul3A_615 : i32
      %dma_start3A_617 = arith.constant 0 : i32
      %dma_start3A_618 = arith.constant 0 : i32
      %dma_start3A_619 = arith.constant 0 : i32
      %dma_start3A_620 = arith.constant 0 : i32
      %dma_start3A_621 = tpu.memref_slice %arg6[%dma_start3A_617, %dma_start3A_619, %dma_start3A_620] : memref<8x8x1024xf32, #tpu.memory_space<vmem>> -> memref<1x8x1024xf32, #tpu.memory_space<vmem>>
      %dma_start3A_622 = tpu.memref_squeeze %dma_start3A_621 : memref<1x8x1024xf32, #tpu.memory_space<vmem>> -> memref<8x1024xf32, #tpu.memory_space<vmem>>
      %dma_start3A_623 = tpu.memref_slice %arg5[%mul3A_616] : memref<512xi32, #tpu.memory_space<vmem>> -> memref<8xi32, #tpu.memory_space<vmem>>
      %dma_start3A_624 = arith.constant 0 : i32
      %dma_start3A_625 = arith.constant 0 : i32
      %dma_start3A_626 = tpu.memref_slice %arg2[%dma_start3A_624, %dma_start3A_625] : memref<100000x1024xf32, #tpu.memory_space<hbm>> -> memref<100000x1024xf32, #tpu.memory_space<hbm>>
      %dma_start3A_627 = tpu.memref_slice %arg7[%dma_start3A_618] : memref<8x!tpu.dma_semaphore, #tpu.memory_space<semaphore_mem>> -> memref<1x!tpu.dma_semaphore, #tpu.memory_space<semaphore_mem>>
      %dma_start3A_628 = tpu.memref_squeeze %dma_start3A_627 : memref<1x!tpu.dma_semaphore, #tpu.memory_space<semaphore_mem>> -> memref<!tpu.dma_semaphore, #tpu.memory_space<semaphore_mem>>
      tpu.enqueue_indirect_dma source(%dma_start3A_626 : memref<100000x1024xf32, #tpu.memory_space<hbm>>) target(%dma_start3A_622 : memref<8x1024xf32, #tpu.memory_space<vmem>>) offsets(%dma_start3A_623 : memref<8xi32, #tpu.memory_space<vmem>>) semaphore(%dma_start3A_628 : memref<!tpu.dma_semaphore, #tpu.memory_space<semaphore_mem>>)
      %mul3A_629 = arith.constant 8 : i32
      %mul3A_630 = arith.muli %add3A_589, %mul3A_629 : i32
      %dma_wait3A_631 = arith.constant 1 : i32
      %dma_wait3A_632 = arith.constant 1 : i32
      %dma_wait3A_633 = arith.constant 0 : i32
      %dma_wait3A_634 = arith.constant 0 : i32
      %dma_wait3A_635 = tpu.memref_slice %arg6[%dma_wait3A_631, %dma_wait3A_633, %dma_wait3A_634] : memref<8x8x1024xf32, #tpu.memory_space<vmem>> -> memref<1x8x1024xf32, #tpu.memory_space<vmem>>
      %dma_wait3A_636 = tpu.memref_squeeze %dma_wait3A_635 : memref<1x8x1024xf32, #tpu.memory_space<vmem>> -> memref<8x1024xf32, #tpu.memory_space<vmem>>
      %dma_wait3A_637 = tpu.memref_slice %arg5[%mul3A_630] : memref<512xi32, #tpu.memory_space<vmem>> -> memref<8xi32, #tpu.memory_space<vmem>>
      %dma_wait3A_638 = arith.constant 0 : i32
      %dma_wait3A_639 = arith.constant 0 : i32
      %dma_wait3A_640 = tpu.memref_slice %arg2[%dma_wait3A_638, %dma_wait3A_639] : memref<100000x1024xf32, #tpu.memory_space<hbm>> -> memref<100000x1024xf32, #tpu.memory_space<hbm>>
      %dma_wait3A_641 = tpu.memref_slice %arg7[%dma_wait3A_632] : memref<8x!tpu.dma_semaphore, #tpu.memory_space<semaphore_mem>> -> memref<1x!tpu.dma_semaphore, #tpu.memory_space<semaphore_mem>>
      %dma_wait3A_642 = tpu.memref_squeeze %dma_wait3A_641 : memref<1x!tpu.dma_semaphore, #tpu.memory_space<semaphore_mem>> -> memref<!tpu.dma_semaphore, #tpu.memory_space<semaphore_mem>>
      tpu.wait_indirect_dma semaphore(%dma_wait3A_642 : memref<!tpu.dma_semaphore, #tpu.memory_space<semaphore_mem>>) src(%dma_wait3A_640 : memref<100000x1024xf32, #tpu.memory_space<hbm>>) dst(%dma_wait3A_636 : memref<8x1024xf32, #tpu.memory_space<vmem>>)
      %mul3A_643 = arith.constant 8 : i32
      %mul3A_644 = arith.muli %add3A_589, %mul3A_643 : i32
      %add3A_645 = arith.addi %mul3A_32, %mul3A_644 : i32
      %dma_start3A_646 = arith.constant 1 : i32
      %dma_start3A_647 = arith.constant 1 : i32
      %dma_start3A_648 = arith.constant 0 : i32
      %dma_start3A_649 = arith.constant 0 : i32
      %dma_start3A_650 = tpu.memref_slice %arg6[%dma_start3A_646, %dma_start3A_648, %dma_start3A_649] : memref<8x8x1024xf32, #tpu.memory_space<vmem>> -> memref<1x8x1024xf32, #tpu.memory_space<vmem>>
      %dma_start3A_651 = tpu.memref_squeeze %dma_start3A_650 : memref<1x8x1024xf32, #tpu.memory_space<vmem>> -> memref<8x1024xf32, #tpu.memory_space<vmem>>
      %dma_start3A_652 = arith.constant 0 : i32
      %dma_start3A_653 = tpu.memref_slice %arg4[%select_n3A, %add3A_645, %dma_start3A_652] : memref<4x4096x1024xf32, #tpu.memory_space<hbm>> -> memref<1x8x1024xf32, #tpu.memory_space<hbm>>
      %dma_start3A_654 = tpu.memref_squeeze %dma_start3A_653 : memref<1x8x1024xf32, #tpu.memory_space<hbm>> -> memref<8x1024xf32, #tpu.memory_space<hbm>>
      %dma_start3A_655 = tpu.memref_slice %arg8[%dma_start3A_647] : memref<8x!tpu.dma_semaphore, #tpu.memory_space<semaphore_mem>> -> memref<1x!tpu.dma_semaphore, #tpu.memory_space<semaphore_mem>>
      %dma_start3A_656 = tpu.memref_squeeze %dma_start3A_655 : memref<1x!tpu.dma_semaphore, #tpu.memory_space<semaphore_mem>> -> memref<!tpu.dma_semaphore, #tpu.memory_space<semaphore_mem>>
      %dma_start3A_657 = arith.constant 0 : i32
      %dma_start3A_658 = tpu.memref_slice %arg4[%select_n3A, %add3A_645, %dma_start3A_657] : memref<4x4096x1024xf32, #tpu.memory_space<hbm>> -> memref<1x8x1024xf32, #tpu.memory_space<hbm>>
      %dma_start3A_659 = tpu.memref_squeeze %dma_start3A_658 : memref<1x8x1024xf32, #tpu.memory_space<hbm>> -> memref<8x1024xf32, #tpu.memory_space<hbm>>
      %dma_start3A_660 = arith.constant 0 : i32
      %dma_start3A_661 = arith.constant 0 : i32
      %dma_start3A_662 = tpu.memref_slice %arg6[%dma_start3A_646, %dma_start3A_660, %dma_start3A_661] : memref<8x8x1024xf32, #tpu.memory_space<vmem>> -> memref<1x8x1024xf32, #tpu.memory_space<vmem>>
      %dma_start3A_663 = tpu.memref_squeeze %dma_start3A_662 : memref<1x8x1024xf32, #tpu.memory_space<vmem>> -> memref<8x1024xf32, #tpu.memory_space<vmem>>
      tpu.enqueue_dma source(%dma_start3A_663 : memref<8x1024xf32, #tpu.memory_space<vmem>>) target(%dma_start3A_659 : memref<8x1024xf32, #tpu.memory_space<hbm>>) target_semaphore(%dma_start3A_656 : memref<!tpu.dma_semaphore, #tpu.memory_space<semaphore_mem>>)
      %add3A_664 = arith.constant 1 : i32
      %add3A_665 = arith.addi %add3A_587, %add3A_664 : i32
      %sub3A_666 = arith.constant 1 : i32
      %sub3A_667 = arith.subi %add3A_665, %sub3A_666 : i32
      %mul3A_668 = arith.constant 8 : i32
      %mul3A_669 = arith.muli %sub3A_667, %mul3A_668 : i32
      %add3A_670 = arith.addi %mul3A_32, %mul3A_669 : i32
      %dma_wait3A_671 = arith.constant 1 : i32
      %dma_wait3A_672 = arith.constant 1 : i32
      %dma_wait3A_673 = arith.constant 0 : i32
      %dma_wait3A_674 = arith.constant 0 : i32
      %dma_wait3A_675 = tpu.memref_slice %arg6[%dma_wait3A_671, %dma_wait3A_673, %dma_wait3A_674] : memref<8x8x1024xf32, #tpu.memory_space<vmem>> -> memref<1x8x1024xf32, #tpu.memory_space<vmem>>
      %dma_wait3A_676 = tpu.memref_squeeze %dma_wait3A_675 : memref<1x8x1024xf32, #tpu.memory_space<vmem>> -> memref<8x1024xf32, #tpu.memory_space<vmem>>
      %dma_wait3A_677 = arith.constant 0 : i32
      %dma_wait3A_678 = tpu.memref_slice %arg4[%select_n3A, %add3A_670, %dma_wait3A_677] : memref<4x4096x1024xf32, #tpu.memory_space<hbm>> -> memref<1x8x1024xf32, #tpu.memory_space<hbm>>
      %dma_wait3A_679 = tpu.memref_squeeze %dma_wait3A_678 : memref<1x8x1024xf32, #tpu.memory_space<hbm>> -> memref<8x1024xf32, #tpu.memory_space<hbm>>
      %dma_wait3A_680 = tpu.memref_slice %arg8[%dma_wait3A_672] : memref<8x!tpu.dma_semaphore, #tpu.memory_space<semaphore_mem>> -> memref<1x!tpu.dma_semaphore, #tpu.memory_space<semaphore_mem>>
      %dma_wait3A_681 = tpu.memref_squeeze %dma_wait3A_680 : memref<1x!tpu.dma_semaphore, #tpu.memory_space<semaphore_mem>> -> memref<!tpu.dma_semaphore, #tpu.memory_space<semaphore_mem>>
      %dma_wait3A_682 = arith.constant 0 : i32
      %dma_wait3A_683 = tpu.memref_slice %arg4[%select_n3A, %add3A_670, %dma_wait3A_682] : memref<4x4096x1024xf32, #tpu.memory_space<hbm>> -> memref<1x8x1024xf32, #tpu.memory_space<hbm>>
      %dma_wait3A_684 = tpu.memref_squeeze %dma_wait3A_683 : memref<1x8x1024xf32, #tpu.memory_space<hbm>> -> memref<8x1024xf32, #tpu.memory_space<hbm>>
      %dma_wait3A_685 = arith.constant 0 : i32
      %dma_wait3A_686 = arith.constant 0 : i32
      %dma_wait3A_687 = tpu.memref_slice %arg6[%dma_wait3A_671, %dma_wait3A_685, %dma_wait3A_686] : memref<8x8x1024xf32, #tpu.memory_space<vmem>> -> memref<1x8x1024xf32, #tpu.memory_space<vmem>>
      %dma_wait3A_688 = tpu.memref_squeeze %dma_wait3A_687 : memref<1x8x1024xf32, #tpu.memory_space<vmem>> -> memref<8x1024xf32, #tpu.memory_space<vmem>>
      tpu.wait_dma2 semaphore(%dma_wait3A_681 : memref<!tpu.dma_semaphore, #tpu.memory_space<semaphore_mem>>) src(%dma_wait3A_688 : memref<8x1024xf32, #tpu.memory_space<vmem>>) dst(%dma_wait3A_684 : memref<8x1024xf32, #tpu.memory_space<hbm>>)
      %add3A_689 = arith.constant 7 : i32
      %add3A_690 = arith.addi %add3A_665, %add3A_689 : i32
      %mul3A_691 = arith.constant 8 : i32
      %mul3A_692 = arith.muli %add3A_690, %mul3A_691 : i32
      %dma_start3A_693 = arith.constant 1 : i32
      %dma_start3A_694 = arith.constant 1 : i32
      %dma_start3A_695 = arith.constant 0 : i32
      %dma_start3A_696 = arith.constant 0 : i32
      %dma_start3A_697 = tpu.memref_slice %arg6[%dma_start3A_693, %dma_start3A_695, %dma_start3A_696] : memref<8x8x1024xf32, #tpu.memory_space<vmem>> -> memref<1x8x1024xf32, #tpu.memory_space<vmem>>
      %dma_start3A_698 = tpu.memref_squeeze %dma_start3A_697 : memref<1x8x1024xf32, #tpu.memory_space<vmem>> -> memref<8x1024xf32, #tpu.memory_space<vmem>>
      %dma_start3A_699 = tpu.memref_slice %arg5[%mul3A_692] : memref<512xi32, #tpu.memory_space<vmem>> -> memref<8xi32, #tpu.memory_space<vmem>>
      %dma_start3A_700 = arith.constant 0 : i32
      %dma_start3A_701 = arith.constant 0 : i32
      %dma_start3A_702 = tpu.memref_slice %arg2[%dma_start3A_700, %dma_start3A_701] : memref<100000x1024xf32, #tpu.memory_space<hbm>> -> memref<100000x1024xf32, #tpu.memory_space<hbm>>
      %dma_start3A_703 = tpu.memref_slice %arg7[%dma_start3A_694] : memref<8x!tpu.dma_semaphore, #tpu.memory_space<semaphore_mem>> -> memref<1x!tpu.dma_semaphore, #tpu.memory_space<semaphore_mem>>
      %dma_start3A_704 = tpu.memref_squeeze %dma_start3A_703 : memref<1x!tpu.dma_semaphore, #tpu.memory_space<semaphore_mem>> -> memref<!tpu.dma_semaphore, #tpu.memory_space<semaphore_mem>>
      tpu.enqueue_indirect_dma source(%dma_start3A_702 : memref<100000x1024xf32, #tpu.memory_space<hbm>>) target(%dma_start3A_698 : memref<8x1024xf32, #tpu.memory_space<vmem>>) offsets(%dma_start3A_699 : memref<8xi32, #tpu.memory_space<vmem>>) semaphore(%dma_start3A_704 : memref<!tpu.dma_semaphore, #tpu.memory_space<semaphore_mem>>)
      %mul3A_705 = arith.constant 8 : i32
      %mul3A_706 = arith.muli %add3A_665, %mul3A_705 : i32
      %dma_wait3A_707 = arith.constant 2 : i32
      %dma_wait3A_708 = arith.constant 2 : i32
      %dma_wait3A_709 = arith.constant 0 : i32
      %dma_wait3A_710 = arith.constant 0 : i32
      %dma_wait3A_711 = tpu.memref_slice %arg6[%dma_wait3A_707, %dma_wait3A_709, %dma_wait3A_710] : memref<8x8x1024xf32, #tpu.memory_space<vmem>> -> memref<1x8x1024xf32, #tpu.memory_space<vmem>>
      %dma_wait3A_712 = tpu.memref_squeeze %dma_wait3A_711 : memref<1x8x1024xf32, #tpu.memory_space<vmem>> -> memref<8x1024xf32, #tpu.memory_space<vmem>>
      %dma_wait3A_713 = tpu.memref_slice %arg5[%mul3A_706] : memref<512xi32, #tpu.memory_space<vmem>> -> memref<8xi32, #tpu.memory_space<vmem>>
      %dma_wait3A_714 = arith.constant 0 : i32
      %dma_wait3A_715 = arith.constant 0 : i32
      %dma_wait3A_716 = tpu.memref_slice %arg2[%dma_wait3A_714, %dma_wait3A_715] : memref<100000x1024xf32, #tpu.memory_space<hbm>> -> memref<100000x1024xf32, #tpu.memory_space<hbm>>
      %dma_wait3A_717 = tpu.memref_slice %arg7[%dma_wait3A_708] : memref<8x!tpu.dma_semaphore, #tpu.memory_space<semaphore_mem>> -> memref<1x!tpu.dma_semaphore, #tpu.memory_space<semaphore_mem>>
      %dma_wait3A_718 = tpu.memref_squeeze %dma_wait3A_717 : memref<1x!tpu.dma_semaphore, #tpu.memory_space<semaphore_mem>> -> memref<!tpu.dma_semaphore, #tpu.memory_space<semaphore_mem>>
      tpu.wait_indirect_dma semaphore(%dma_wait3A_718 : memref<!tpu.dma_semaphore, #tpu.memory_space<semaphore_mem>>) src(%dma_wait3A_716 : memref<100000x1024xf32, #tpu.memory_space<hbm>>) dst(%dma_wait3A_712 : memref<8x1024xf32, #tpu.memory_space<vmem>>)
      %mul3A_719 = arith.constant 8 : i32
      %mul3A_720 = arith.muli %add3A_665, %mul3A_719 : i32
      %add3A_721 = arith.addi %mul3A_32, %mul3A_720 : i32
      %dma_start3A_722 = arith.constant 2 : i32
      %dma_start3A_723 = arith.constant 2 : i32
      %dma_start3A_724 = arith.constant 0 : i32
      %dma_start3A_725 = arith.constant 0 : i32
      %dma_start3A_726 = tpu.memref_slice %arg6[%dma_start3A_722, %dma_start3A_724, %dma_start3A_725] : memref<8x8x1024xf32, #tpu.memory_space<vmem>> -> memref<1x8x1024xf32, #tpu.memory_space<vmem>>
      %dma_start3A_727 = tpu.memref_squeeze %dma_start3A_726 : memref<1x8x1024xf32, #tpu.memory_space<vmem>> -> memref<8x1024xf32, #tpu.memory_space<vmem>>
      %dma_start3A_728 = arith.constant 0 : i32
      %dma_start3A_729 = tpu.memref_slice %arg4[%select_n3A, %add3A_721, %dma_start3A_728] : memref<4x4096x1024xf32, #tpu.memory_space<hbm>> -> memref<1x8x1024xf32, #tpu.memory_space<hbm>>
      %dma_start3A_730 = tpu.memref_squeeze %dma_start3A_729 : memref<1x8x1024xf32, #tpu.memory_space<hbm>> -> memref<8x1024xf32, #tpu.memory_space<hbm>>
      %dma_start3A_731 = tpu.memref_slice %arg8[%dma_start3A_723] : memref<8x!tpu.dma_semaphore, #tpu.memory_space<semaphore_mem>> -> memref<1x!tpu.dma_semaphore, #tpu.memory_space<semaphore_mem>>
      %dma_start3A_732 = tpu.memref_squeeze %dma_start3A_731 : memref<1x!tpu.dma_semaphore, #tpu.memory_space<semaphore_mem>> -> memref<!tpu.dma_semaphore, #tpu.memory_space<semaphore_mem>>
      %dma_start3A_733 = arith.constant 0 : i32
      %dma_start3A_734 = tpu.memref_slice %arg4[%select_n3A, %add3A_721, %dma_start3A_733] : memref<4x4096x1024xf32, #tpu.memory_space<hbm>> -> memref<1x8x1024xf32, #tpu.memory_space<hbm>>
      %dma_start3A_735 = tpu.memref_squeeze %dma_start3A_734 : memref<1x8x1024xf32, #tpu.memory_space<hbm>> -> memref<8x1024xf32, #tpu.memory_space<hbm>>
      %dma_start3A_736 = arith.constant 0 : i32
      %dma_start3A_737 = arith.constant 0 : i32
      %dma_start3A_738 = tpu.memref_slice %arg6[%dma_start3A_722, %dma_start3A_736, %dma_start3A_737] : memref<8x8x1024xf32, #tpu.memory_space<vmem>> -> memref<1x8x1024xf32, #tpu.memory_space<vmem>>
      %dma_start3A_739 = tpu.memref_squeeze %dma_start3A_738 : memref<1x8x1024xf32, #tpu.memory_space<vmem>> -> memref<8x1024xf32, #tpu.memory_space<vmem>>
      tpu.enqueue_dma source(%dma_start3A_739 : memref<8x1024xf32, #tpu.memory_space<vmem>>) target(%dma_start3A_735 : memref<8x1024xf32, #tpu.memory_space<hbm>>) target_semaphore(%dma_start3A_732 : memref<!tpu.dma_semaphore, #tpu.memory_space<semaphore_mem>>)
      %add3A_740 = arith.constant 2 : i32
      %add3A_741 = arith.addi %add3A_587, %add3A_740 : i32
      %sub3A_742 = arith.constant 1 : i32
      %sub3A_743 = arith.subi %add3A_741, %sub3A_742 : i32
      %mul3A_744 = arith.constant 8 : i32
      %mul3A_745 = arith.muli %sub3A_743, %mul3A_744 : i32
      %add3A_746 = arith.addi %mul3A_32, %mul3A_745 : i32
      %dma_wait3A_747 = arith.constant 2 : i32
      %dma_wait3A_748 = arith.constant 2 : i32
      %dma_wait3A_749 = arith.constant 0 : i32
      %dma_wait3A_750 = arith.constant 0 : i32
      %dma_wait3A_751 = tpu.memref_slice %arg6[%dma_wait3A_747, %dma_wait3A_749, %dma_wait3A_750] : memref<8x8x1024xf32, #tpu.memory_space<vmem>> -> memref<1x8x1024xf32, #tpu.memory_space<vmem>>
      %dma_wait3A_752 = tpu.memref_squeeze %dma_wait3A_751 : memref<1x8x1024xf32, #tpu.memory_space<vmem>> -> memref<8x1024xf32, #tpu.memory_space<vmem>>
      %dma_wait3A_753 = arith.constant 0 : i32
      %dma_wait3A_754 = tpu.memref_slice %arg4[%select_n3A, %add3A_746, %dma_wait3A_753] : memref<4x4096x1024xf32, #tpu.memory_space<hbm>> -> memref<1x8x1024xf32, #tpu.memory_space<hbm>>
      %dma_wait3A_755 = tpu.memref_squeeze %dma_wait3A_754 : memref<1x8x1024xf32, #tpu.memory_space<hbm>> -> memref<8x1024xf32, #tpu.memory_space<hbm>>
      %dma_wait3A_756 = tpu.memref_slice %arg8[%dma_wait3A_748] : memref<8x!tpu.dma_semaphore, #tpu.memory_space<semaphore_mem>> -> memref<1x!tpu.dma_semaphore, #tpu.memory_space<semaphore_mem>>
      %dma_wait3A_757 = tpu.memref_squeeze %dma_wait3A_756 : memref<1x!tpu.dma_semaphore, #tpu.memory_space<semaphore_mem>> -> memref<!tpu.dma_semaphore, #tpu.memory_space<semaphore_mem>>
      %dma_wait3A_758 = arith.constant 0 : i32
      %dma_wait3A_759 = tpu.memref_slice %arg4[%select_n3A, %add3A_746, %dma_wait3A_758] : memref<4x4096x1024xf32, #tpu.memory_space<hbm>> -> memref<1x8x1024xf32, #tpu.memory_space<hbm>>
      %dma_wait3A_760 = tpu.memref_squeeze %dma_wait3A_759 : memref<1x8x1024xf32, #tpu.memory_space<hbm>> -> memref<8x1024xf32, #tpu.memory_space<hbm>>
      %dma_wait3A_761 = arith.constant 0 : i32
      %dma_wait3A_762 = arith.constant 0 : i32
      %dma_wait3A_763 = tpu.memref_slice %arg6[%dma_wait3A_747, %dma_wait3A_761, %dma_wait3A_762] : memref<8x8x1024xf32, #tpu.memory_space<vmem>> -> memref<1x8x1024xf32, #tpu.memory_space<vmem>>
      %dma_wait3A_764 = tpu.memref_squeeze %dma_wait3A_763 : memref<1x8x1024xf32, #tpu.memory_space<vmem>> -> memref<8x1024xf32, #tpu.memory_space<vmem>>
      tpu.wait_dma2 semaphore(%dma_wait3A_757 : memref<!tpu.dma_semaphore, #tpu.memory_space<semaphore_mem>>) src(%dma_wait3A_764 : memref<8x1024xf32, #tpu.memory_space<vmem>>) dst(%dma_wait3A_760 : memref<8x1024xf32, #tpu.memory_space<hbm>>)
      %add3A_765 = arith.constant 7 : i32
      %add3A_766 = arith.addi %add3A_741, %add3A_765 : i32
      %mul3A_767 = arith.constant 8 : i32
      %mul3A_768 = arith.muli %add3A_766, %mul3A_767 : i32
      %dma_start3A_769 = arith.constant 2 : i32
      %dma_start3A_770 = arith.constant 2 : i32
      %dma_start3A_771 = arith.constant 0 : i32
      %dma_start3A_772 = arith.constant 0 : i32
      %dma_start3A_773 = tpu.memref_slice %arg6[%dma_start3A_769, %dma_start3A_771, %dma_start3A_772] : memref<8x8x1024xf32, #tpu.memory_space<vmem>> -> memref<1x8x1024xf32, #tpu.memory_space<vmem>>
      %dma_start3A_774 = tpu.memref_squeeze %dma_start3A_773 : memref<1x8x1024xf32, #tpu.memory_space<vmem>> -> memref<8x1024xf32, #tpu.memory_space<vmem>>
      %dma_start3A_775 = tpu.memref_slice %arg5[%mul3A_768] : memref<512xi32, #tpu.memory_space<vmem>> -> memref<8xi32, #tpu.memory_space<vmem>>
      %dma_start3A_776 = arith.constant 0 : i32
      %dma_start3A_777 = arith.constant 0 : i32
      %dma_start3A_778 = tpu.memref_slice %arg2[%dma_start3A_776, %dma_start3A_777] : memref<100000x1024xf32, #tpu.memory_space<hbm>> -> memref<100000x1024xf32, #tpu.memory_space<hbm>>
      %dma_start3A_779 = tpu.memref_slice %arg7[%dma_start3A_770] : memref<8x!tpu.dma_semaphore, #tpu.memory_space<semaphore_mem>> -> memref<1x!tpu.dma_semaphore, #tpu.memory_space<semaphore_mem>>
      %dma_start3A_780 = tpu.memref_squeeze %dma_start3A_779 : memref<1x!tpu.dma_semaphore, #tpu.memory_space<semaphore_mem>> -> memref<!tpu.dma_semaphore, #tpu.memory_space<semaphore_mem>>
      tpu.enqueue_indirect_dma source(%dma_start3A_778 : memref<100000x1024xf32, #tpu.memory_space<hbm>>) target(%dma_start3A_774 : memref<8x1024xf32, #tpu.memory_space<vmem>>) offsets(%dma_start3A_775 : memref<8xi32, #tpu.memory_space<vmem>>) semaphore(%dma_start3A_780 : memref<!tpu.dma_semaphore, #tpu.memory_space<semaphore_mem>>)
      %mul3A_781 = arith.constant 8 : i32
      %mul3A_782 = arith.muli %add3A_741, %mul3A_781 : i32
      %dma_wait3A_783 = arith.constant 3 : i32
      %dma_wait3A_784 = arith.constant 3 : i32
      %dma_wait3A_785 = arith.constant 0 : i32
      %dma_wait3A_786 = arith.constant 0 : i32
      %dma_wait3A_787 = tpu.memref_slice %arg6[%dma_wait3A_783, %dma_wait3A_785, %dma_wait3A_786] : memref<8x8x1024xf32, #tpu.memory_space<vmem>> -> memref<1x8x1024xf32, #tpu.memory_space<vmem>>
      %dma_wait3A_788 = tpu.memref_squeeze %dma_wait3A_787 : memref<1x8x1024xf32, #tpu.memory_space<vmem>> -> memref<8x1024xf32, #tpu.memory_space<vmem>>
      %dma_wait3A_789 = tpu.memref_slice %arg5[%mul3A_782] : memref<512xi32, #tpu.memory_space<vmem>> -> memref<8xi32, #tpu.memory_space<vmem>>
      %dma_wait3A_790 = arith.constant 0 : i32
      %dma_wait3A_791 = arith.constant 0 : i32
      %dma_wait3A_792 = tpu.memref_slice %arg2[%dma_wait3A_790, %dma_wait3A_791] : memref<100000x1024xf32, #tpu.memory_space<hbm>> -> memref<100000x1024xf32, #tpu.memory_space<hbm>>
      %dma_wait3A_793 = tpu.memref_slice %arg7[%dma_wait3A_784] : memref<8x!tpu.dma_semaphore, #tpu.memory_space<semaphore_mem>> -> memref<1x!tpu.dma_semaphore, #tpu.memory_space<semaphore_mem>>
      %dma_wait3A_794 = tpu.memref_squeeze %dma_wait3A_793 : memref<1x!tpu.dma_semaphore, #tpu.memory_space<semaphore_mem>> -> memref<!tpu.dma_semaphore, #tpu.memory_space<semaphore_mem>>
      tpu.wait_indirect_dma semaphore(%dma_wait3A_794 : memref<!tpu.dma_semaphore, #tpu.memory_space<semaphore_mem>>) src(%dma_wait3A_792 : memref<100000x1024xf32, #tpu.memory_space<hbm>>) dst(%dma_wait3A_788 : memref<8x1024xf32, #tpu.memory_space<vmem>>)
      %mul3A_795 = arith.constant 8 : i32
      %mul3A_796 = arith.muli %add3A_741, %mul3A_795 : i32
      %add3A_797 = arith.addi %mul3A_32, %mul3A_796 : i32
      %dma_start3A_798 = arith.constant 3 : i32
      %dma_start3A_799 = arith.constant 3 : i32
      %dma_start3A_800 = arith.constant 0 : i32
      %dma_start3A_801 = arith.constant 0 : i32
      %dma_start3A_802 = tpu.memref_slice %arg6[%dma_start3A_798, %dma_start3A_800, %dma_start3A_801] : memref<8x8x1024xf32, #tpu.memory_space<vmem>> -> memref<1x8x1024xf32, #tpu.memory_space<vmem>>
      %dma_start3A_803 = tpu.memref_squeeze %dma_start3A_802 : memref<1x8x1024xf32, #tpu.memory_space<vmem>> -> memref<8x1024xf32, #tpu.memory_space<vmem>>
      %dma_start3A_804 = arith.constant 0 : i32
      %dma_start3A_805 = tpu.memref_slice %arg4[%select_n3A, %add3A_797, %dma_start3A_804] : memref<4x4096x1024xf32, #tpu.memory_space<hbm>> -> memref<1x8x1024xf32, #tpu.memory_space<hbm>>
      %dma_start3A_806 = tpu.memref_squeeze %dma_start3A_805 : memref<1x8x1024xf32, #tpu.memory_space<hbm>> -> memref<8x1024xf32, #tpu.memory_space<hbm>>
      %dma_start3A_807 = tpu.memref_slice %arg8[%dma_start3A_799] : memref<8x!tpu.dma_semaphore, #tpu.memory_space<semaphore_mem>> -> memref<1x!tpu.dma_semaphore, #tpu.memory_space<semaphore_mem>>
      %dma_start3A_808 = tpu.memref_squeeze %dma_start3A_807 : memref<1x!tpu.dma_semaphore, #tpu.memory_space<semaphore_mem>> -> memref<!tpu.dma_semaphore, #tpu.memory_space<semaphore_mem>>
      %dma_start3A_809 = arith.constant 0 : i32
      %dma_start3A_810 = tpu.memref_slice %arg4[%select_n3A, %add3A_797, %dma_start3A_809] : memref<4x4096x1024xf32, #tpu.memory_space<hbm>> -> memref<1x8x1024xf32, #tpu.memory_space<hbm>>
      %dma_start3A_811 = tpu.memref_squeeze %dma_start3A_810 : memref<1x8x1024xf32, #tpu.memory_space<hbm>> -> memref<8x1024xf32, #tpu.memory_space<hbm>>
      %dma_start3A_812 = arith.constant 0 : i32
      %dma_start3A_813 = arith.constant 0 : i32
      %dma_start3A_814 = tpu.memref_slice %arg6[%dma_start3A_798, %dma_start3A_812, %dma_start3A_813] : memref<8x8x1024xf32, #tpu.memory_space<vmem>> -> memref<1x8x1024xf32, #tpu.memory_space<vmem>>
      %dma_start3A_815 = tpu.memref_squeeze %dma_start3A_814 : memref<1x8x1024xf32, #tpu.memory_space<vmem>> -> memref<8x1024xf32, #tpu.memory_space<vmem>>
      tpu.enqueue_dma source(%dma_start3A_815 : memref<8x1024xf32, #tpu.memory_space<vmem>>) target(%dma_start3A_811 : memref<8x1024xf32, #tpu.memory_space<hbm>>) target_semaphore(%dma_start3A_808 : memref<!tpu.dma_semaphore, #tpu.memory_space<semaphore_mem>>)
      %add3A_816 = arith.constant 3 : i32
      %add3A_817 = arith.addi %add3A_587, %add3A_816 : i32
      %sub3A_818 = arith.constant 1 : i32
      %sub3A_819 = arith.subi %add3A_817, %sub3A_818 : i32
      %mul3A_820 = arith.constant 8 : i32
      %mul3A_821 = arith.muli %sub3A_819, %mul3A_820 : i32
      %add3A_822 = arith.addi %mul3A_32, %mul3A_821 : i32
      %dma_wait3A_823 = arith.constant 3 : i32
      %dma_wait3A_824 = arith.constant 3 : i32
      %dma_wait3A_825 = arith.constant 0 : i32
      %dma_wait3A_826 = arith.constant 0 : i32
      %dma_wait3A_827 = tpu.memref_slice %arg6[%dma_wait3A_823, %dma_wait3A_825, %dma_wait3A_826] : memref<8x8x1024xf32, #tpu.memory_space<vmem>> -> memref<1x8x1024xf32, #tpu.memory_space<vmem>>
      %dma_wait3A_828 = tpu.memref_squeeze %dma_wait3A_827 : memref<1x8x1024xf32, #tpu.memory_space<vmem>> -> memref<8x1024xf32, #tpu.memory_space<vmem>>
      %dma_wait3A_829 = arith.constant 0 : i32
      %dma_wait3A_830 = tpu.memref_slice %arg4[%select_n3A, %add3A_822, %dma_wait3A_829] : memref<4x4096x1024xf32, #tpu.memory_space<hbm>> -> memref<1x8x1024xf32, #tpu.memory_space<hbm>>
      %dma_wait3A_831 = tpu.memref_squeeze %dma_wait3A_830 : memref<1x8x1024xf32, #tpu.memory_space<hbm>> -> memref<8x1024xf32, #tpu.memory_space<hbm>>
      %dma_wait3A_832 = tpu.memref_slice %arg8[%dma_wait3A_824] : memref<8x!tpu.dma_semaphore, #tpu.memory_space<semaphore_mem>> -> memref<1x!tpu.dma_semaphore, #tpu.memory_space<semaphore_mem>>
      %dma_wait3A_833 = tpu.memref_squeeze %dma_wait3A_832 : memref<1x!tpu.dma_semaphore, #tpu.memory_space<semaphore_mem>> -> memref<!tpu.dma_semaphore, #tpu.memory_space<semaphore_mem>>
      %dma_wait3A_834 = arith.constant 0 : i32
      %dma_wait3A_835 = tpu.memref_slice %arg4[%select_n3A, %add3A_822, %dma_wait3A_834] : memref<4x4096x1024xf32, #tpu.memory_space<hbm>> -> memref<1x8x1024xf32, #tpu.memory_space<hbm>>
      %dma_wait3A_836 = tpu.memref_squeeze %dma_wait3A_835 : memref<1x8x1024xf32, #tpu.memory_space<hbm>> -> memref<8x1024xf32, #tpu.memory_space<hbm>>
      %dma_wait3A_837 = arith.constant 0 : i32
      %dma_wait3A_838 = arith.constant 0 : i32
      %dma_wait3A_839 = tpu.memref_slice %arg6[%dma_wait3A_823, %dma_wait3A_837, %dma_wait3A_838] : memref<8x8x1024xf32, #tpu.memory_space<vmem>> -> memref<1x8x1024xf32, #tpu.memory_space<vmem>>
      %dma_wait3A_840 = tpu.memref_squeeze %dma_wait3A_839 : memref<1x8x1024xf32, #tpu.memory_space<vmem>> -> memref<8x1024xf32, #tpu.memory_space<vmem>>
      tpu.wait_dma2 semaphore(%dma_wait3A_833 : memref<!tpu.dma_semaphore, #tpu.memory_space<semaphore_mem>>) src(%dma_wait3A_840 : memref<8x1024xf32, #tpu.memory_space<vmem>>) dst(%dma_wait3A_836 : memref<8x1024xf32, #tpu.memory_space<hbm>>)
      %add3A_841 = arith.constant 7 : i32
      %add3A_842 = arith.addi %add3A_817, %add3A_841 : i32
      %mul3A_843 = arith.constant 8 : i32
      %mul3A_844 = arith.muli %add3A_842, %mul3A_843 : i32
      %dma_start3A_845 = arith.constant 3 : i32
      %dma_start3A_846 = arith.constant 3 : i32
      %dma_start3A_847 = arith.constant 0 : i32
      %dma_start3A_848 = arith.constant 0 : i32
      %dma_start3A_849 = tpu.memref_slice %arg6[%dma_start3A_845, %dma_start3A_847, %dma_start3A_848] : memref<8x8x1024xf32, #tpu.memory_space<vmem>> -> memref<1x8x1024xf32, #tpu.memory_space<vmem>>
      %dma_start3A_850 = tpu.memref_squeeze %dma_start3A_849 : memref<1x8x1024xf32, #tpu.memory_space<vmem>> -> memref<8x1024xf32, #tpu.memory_space<vmem>>
      %dma_start3A_851 = tpu.memref_slice %arg5[%mul3A_844] : memref<512xi32, #tpu.memory_space<vmem>> -> memref<8xi32, #tpu.memory_space<vmem>>
      %dma_start3A_852 = arith.constant 0 : i32
      %dma_start3A_853 = arith.constant 0 : i32
      %dma_start3A_854 = tpu.memref_slice %arg2[%dma_start3A_852, %dma_start3A_853] : memref<100000x1024xf32, #tpu.memory_space<hbm>> -> memref<100000x1024xf32, #tpu.memory_space<hbm>>
      %dma_start3A_855 = tpu.memref_slice %arg7[%dma_start3A_846] : memref<8x!tpu.dma_semaphore, #tpu.memory_space<semaphore_mem>> -> memref<1x!tpu.dma_semaphore, #tpu.memory_space<semaphore_mem>>
      %dma_start3A_856 = tpu.memref_squeeze %dma_start3A_855 : memref<1x!tpu.dma_semaphore, #tpu.memory_space<semaphore_mem>> -> memref<!tpu.dma_semaphore, #tpu.memory_space<semaphore_mem>>
      tpu.enqueue_indirect_dma source(%dma_start3A_854 : memref<100000x1024xf32, #tpu.memory_space<hbm>>) target(%dma_start3A_850 : memref<8x1024xf32, #tpu.memory_space<vmem>>) offsets(%dma_start3A_851 : memref<8xi32, #tpu.memory_space<vmem>>) semaphore(%dma_start3A_856 : memref<!tpu.dma_semaphore, #tpu.memory_space<semaphore_mem>>)
      %mul3A_857 = arith.constant 8 : i32
      %mul3A_858 = arith.muli %add3A_817, %mul3A_857 : i32
      %dma_wait3A_859 = arith.constant 4 : i32
      %dma_wait3A_860 = arith.constant 4 : i32
      %dma_wait3A_861 = arith.constant 0 : i32
      %dma_wait3A_862 = arith.constant 0 : i32
      %dma_wait3A_863 = tpu.memref_slice %arg6[%dma_wait3A_859, %dma_wait3A_861, %dma_wait3A_862] : memref<8x8x1024xf32, #tpu.memory_space<vmem>> -> memref<1x8x1024xf32, #tpu.memory_space<vmem>>
      %dma_wait3A_864 = tpu.memref_squeeze %dma_wait3A_863 : memref<1x8x1024xf32, #tpu.memory_space<vmem>> -> memref<8x1024xf32, #tpu.memory_space<vmem>>
      %dma_wait3A_865 = tpu.memref_slice %arg5[%mul3A_858] : memref<512xi32, #tpu.memory_space<vmem>> -> memref<8xi32, #tpu.memory_space<vmem>>
      %dma_wait3A_866 = arith.constant 0 : i32
      %dma_wait3A_867 = arith.constant 0 : i32
      %dma_wait3A_868 = tpu.memref_slice %arg2[%dma_wait3A_866, %dma_wait3A_867] : memref<100000x1024xf32, #tpu.memory_space<hbm>> -> memref<100000x1024xf32, #tpu.memory_space<hbm>>
      %dma_wait3A_869 = tpu.memref_slice %arg7[%dma_wait3A_860] : memref<8x!tpu.dma_semaphore, #tpu.memory_space<semaphore_mem>> -> memref<1x!tpu.dma_semaphore, #tpu.memory_space<semaphore_mem>>
      %dma_wait3A_870 = tpu.memref_squeeze %dma_wait3A_869 : memref<1x!tpu.dma_semaphore, #tpu.memory_space<semaphore_mem>> -> memref<!tpu.dma_semaphore, #tpu.memory_space<semaphore_mem>>
      tpu.wait_indirect_dma semaphore(%dma_wait3A_870 : memref<!tpu.dma_semaphore, #tpu.memory_space<semaphore_mem>>) src(%dma_wait3A_868 : memref<100000x1024xf32, #tpu.memory_space<hbm>>) dst(%dma_wait3A_864 : memref<8x1024xf32, #tpu.memory_space<vmem>>)
      %mul3A_871 = arith.constant 8 : i32
      %mul3A_872 = arith.muli %add3A_817, %mul3A_871 : i32
      %add3A_873 = arith.addi %mul3A_32, %mul3A_872 : i32
      %dma_start3A_874 = arith.constant 4 : i32
      %dma_start3A_875 = arith.constant 4 : i32
      %dma_start3A_876 = arith.constant 0 : i32
      %dma_start3A_877 = arith.constant 0 : i32
      %dma_start3A_878 = tpu.memref_slice %arg6[%dma_start3A_874, %dma_start3A_876, %dma_start3A_877] : memref<8x8x1024xf32, #tpu.memory_space<vmem>> -> memref<1x8x1024xf32, #tpu.memory_space<vmem>>
      %dma_start3A_879 = tpu.memref_squeeze %dma_start3A_878 : memref<1x8x1024xf32, #tpu.memory_space<vmem>> -> memref<8x1024xf32, #tpu.memory_space<vmem>>
      %dma_start3A_880 = arith.constant 0 : i32
      %dma_start3A_881 = tpu.memref_slice %arg4[%select_n3A, %add3A_873, %dma_start3A_880] : memref<4x4096x1024xf32, #tpu.memory_space<hbm>> -> memref<1x8x1024xf32, #tpu.memory_space<hbm>>
      %dma_start3A_882 = tpu.memref_squeeze %dma_start3A_881 : memref<1x8x1024xf32, #tpu.memory_space<hbm>> -> memref<8x1024xf32, #tpu.memory_space<hbm>>
      %dma_start3A_883 = tpu.memref_slice %arg8[%dma_start3A_875] : memref<8x!tpu.dma_semaphore, #tpu.memory_space<semaphore_mem>> -> memref<1x!tpu.dma_semaphore, #tpu.memory_space<semaphore_mem>>
      %dma_start3A_884 = tpu.memref_squeeze %dma_start3A_883 : memref<1x!tpu.dma_semaphore, #tpu.memory_space<semaphore_mem>> -> memref<!tpu.dma_semaphore, #tpu.memory_space<semaphore_mem>>
      %dma_start3A_885 = arith.constant 0 : i32
      %dma_start3A_886 = tpu.memref_slice %arg4[%select_n3A, %add3A_873, %dma_start3A_885] : memref<4x4096x1024xf32, #tpu.memory_space<hbm>> -> memref<1x8x1024xf32, #tpu.memory_space<hbm>>
      %dma_start3A_887 = tpu.memref_squeeze %dma_start3A_886 : memref<1x8x1024xf32, #tpu.memory_space<hbm>> -> memref<8x1024xf32, #tpu.memory_space<hbm>>
      %dma_start3A_888 = arith.constant 0 : i32
      %dma_start3A_889 = arith.constant 0 : i32
      %dma_start3A_890 = tpu.memref_slice %arg6[%dma_start3A_874, %dma_start3A_888, %dma_start3A_889] : memref<8x8x1024xf32, #tpu.memory_space<vmem>> -> memref<1x8x1024xf32, #tpu.memory_space<vmem>>
      %dma_start3A_891 = tpu.memref_squeeze %dma_start3A_890 : memref<1x8x1024xf32, #tpu.memory_space<vmem>> -> memref<8x1024xf32, #tpu.memory_space<vmem>>
      tpu.enqueue_dma source(%dma_start3A_891 : memref<8x1024xf32, #tpu.memory_space<vmem>>) target(%dma_start3A_887 : memref<8x1024xf32, #tpu.memory_space<hbm>>) target_semaphore(%dma_start3A_884 : memref<!tpu.dma_semaphore, #tpu.memory_space<semaphore_mem>>)
      %add3A_892 = arith.constant 4 : i32
      %add3A_893 = arith.addi %add3A_587, %add3A_892 : i32
      %sub3A_894 = arith.constant 1 : i32
      %sub3A_895 = arith.subi %add3A_893, %sub3A_894 : i32
      %mul3A_896 = arith.constant 8 : i32
      %mul3A_897 = arith.muli %sub3A_895, %mul3A_896 : i32
      %add3A_898 = arith.addi %mul3A_32, %mul3A_897 : i32
      %dma_wait3A_899 = arith.constant 4 : i32
      %dma_wait3A_900 = arith.constant 4 : i32
      %dma_wait3A_901 = arith.constant 0 : i32
      %dma_wait3A_902 = arith.constant 0 : i32
      %dma_wait3A_903 = tpu.memref_slice %arg6[%dma_wait3A_899, %dma_wait3A_901, %dma_wait3A_902] : memref<8x8x1024xf32, #tpu.memory_space<vmem>> -> memref<1x8x1024xf32, #tpu.memory_space<vmem>>
      %dma_wait3A_904 = tpu.memref_squeeze %dma_wait3A_903 : memref<1x8x1024xf32, #tpu.memory_space<vmem>> -> memref<8x1024xf32, #tpu.memory_space<vmem>>
      %dma_wait3A_905 = arith.constant 0 : i32
      %dma_wait3A_906 = tpu.memref_slice %arg4[%select_n3A, %add3A_898, %dma_wait3A_905] : memref<4x4096x1024xf32, #tpu.memory_space<hbm>> -> memref<1x8x1024xf32, #tpu.memory_space<hbm>>
      %dma_wait3A_907 = tpu.memref_squeeze %dma_wait3A_906 : memref<1x8x1024xf32, #tpu.memory_space<hbm>> -> memref<8x1024xf32, #tpu.memory_space<hbm>>
      %dma_wait3A_908 = tpu.memref_slice %arg8[%dma_wait3A_900] : memref<8x!tpu.dma_semaphore, #tpu.memory_space<semaphore_mem>> -> memref<1x!tpu.dma_semaphore, #tpu.memory_space<semaphore_mem>>
      %dma_wait3A_909 = tpu.memref_squeeze %dma_wait3A_908 : memref<1x!tpu.dma_semaphore, #tpu.memory_space<semaphore_mem>> -> memref<!tpu.dma_semaphore, #tpu.memory_space<semaphore_mem>>
      %dma_wait3A_910 = arith.constant 0 : i32
      %dma_wait3A_911 = tpu.memref_slice %arg4[%select_n3A, %add3A_898, %dma_wait3A_910] : memref<4x4096x1024xf32, #tpu.memory_space<hbm>> -> memref<1x8x1024xf32, #tpu.memory_space<hbm>>
      %dma_wait3A_912 = tpu.memref_squeeze %dma_wait3A_911 : memref<1x8x1024xf32, #tpu.memory_space<hbm>> -> memref<8x1024xf32, #tpu.memory_space<hbm>>
      %dma_wait3A_913 = arith.constant 0 : i32
      %dma_wait3A_914 = arith.constant 0 : i32
      %dma_wait3A_915 = tpu.memref_slice %arg6[%dma_wait3A_899, %dma_wait3A_913, %dma_wait3A_914] : memref<8x8x1024xf32, #tpu.memory_space<vmem>> -> memref<1x8x1024xf32, #tpu.memory_space<vmem>>
      %dma_wait3A_916 = tpu.memref_squeeze %dma_wait3A_915 : memref<1x8x1024xf32, #tpu.memory_space<vmem>> -> memref<8x1024xf32, #tpu.memory_space<vmem>>
      tpu.wait_dma2 semaphore(%dma_wait3A_909 : memref<!tpu.dma_semaphore, #tpu.memory_space<semaphore_mem>>) src(%dma_wait3A_916 : memref<8x1024xf32, #tpu.memory_space<vmem>>) dst(%dma_wait3A_912 : memref<8x1024xf32, #tpu.memory_space<hbm>>)
      %add3A_917 = arith.constant 7 : i32
      %add3A_918 = arith.addi %add3A_893, %add3A_917 : i32
      %mul3A_919 = arith.constant 8 : i32
      %mul3A_920 = arith.muli %add3A_918, %mul3A_919 : i32
      %dma_start3A_921 = arith.constant 4 : i32
      %dma_start3A_922 = arith.constant 4 : i32
      %dma_start3A_923 = arith.constant 0 : i32
      %dma_start3A_924 = arith.constant 0 : i32
      %dma_start3A_925 = tpu.memref_slice %arg6[%dma_start3A_921, %dma_start3A_923, %dma_start3A_924] : memref<8x8x1024xf32, #tpu.memory_space<vmem>> -> memref<1x8x1024xf32, #tpu.memory_space<vmem>>
      %dma_start3A_926 = tpu.memref_squeeze %dma_start3A_925 : memref<1x8x1024xf32, #tpu.memory_space<vmem>> -> memref<8x1024xf32, #tpu.memory_space<vmem>>
      %dma_start3A_927 = tpu.memref_slice %arg5[%mul3A_920] : memref<512xi32, #tpu.memory_space<vmem>> -> memref<8xi32, #tpu.memory_space<vmem>>
      %dma_start3A_928 = arith.constant 0 : i32
      %dma_start3A_929 = arith.constant 0 : i32
      %dma_start3A_930 = tpu.memref_slice %arg2[%dma_start3A_928, %dma_start3A_929] : memref<100000x1024xf32, #tpu.memory_space<hbm>> -> memref<100000x1024xf32, #tpu.memory_space<hbm>>
      %dma_start3A_931 = tpu.memref_slice %arg7[%dma_start3A_922] : memref<8x!tpu.dma_semaphore, #tpu.memory_space<semaphore_mem>> -> memref<1x!tpu.dma_semaphore, #tpu.memory_space<semaphore_mem>>
      %dma_start3A_932 = tpu.memref_squeeze %dma_start3A_931 : memref<1x!tpu.dma_semaphore, #tpu.memory_space<semaphore_mem>> -> memref<!tpu.dma_semaphore, #tpu.memory_space<semaphore_mem>>
      tpu.enqueue_indirect_dma source(%dma_start3A_930 : memref<100000x1024xf32, #tpu.memory_space<hbm>>) target(%dma_start3A_926 : memref<8x1024xf32, #tpu.memory_space<vmem>>) offsets(%dma_start3A_927 : memref<8xi32, #tpu.memory_space<vmem>>) semaphore(%dma_start3A_932 : memref<!tpu.dma_semaphore, #tpu.memory_space<semaphore_mem>>)
      %mul3A_933 = arith.constant 8 : i32
      %mul3A_934 = arith.muli %add3A_893, %mul3A_933 : i32
      %dma_wait3A_935 = arith.constant 5 : i32
      %dma_wait3A_936 = arith.constant 5 : i32
      %dma_wait3A_937 = arith.constant 0 : i32
      %dma_wait3A_938 = arith.constant 0 : i32
      %dma_wait3A_939 = tpu.memref_slice %arg6[%dma_wait3A_935, %dma_wait3A_937, %dma_wait3A_938] : memref<8x8x1024xf32, #tpu.memory_space<vmem>> -> memref<1x8x1024xf32, #tpu.memory_space<vmem>>
      %dma_wait3A_940 = tpu.memref_squeeze %dma_wait3A_939 : memref<1x8x1024xf32, #tpu.memory_space<vmem>> -> memref<8x1024xf32, #tpu.memory_space<vmem>>
      %dma_wait3A_941 = tpu.memref_slice %arg5[%mul3A_934] : memref<512xi32, #tpu.memory_space<vmem>> -> memref<8xi32, #tpu.memory_space<vmem>>
      %dma_wait3A_942 = arith.constant 0 : i32
      %dma_wait3A_943 = arith.constant 0 : i32
      %dma_wait3A_944 = tpu.memref_slice %arg2[%dma_wait3A_942, %dma_wait3A_943] : memref<100000x1024xf32, #tpu.memory_space<hbm>> -> memref<100000x1024xf32, #tpu.memory_space<hbm>>
      %dma_wait3A_945 = tpu.memref_slice %arg7[%dma_wait3A_936] : memref<8x!tpu.dma_semaphore, #tpu.memory_space<semaphore_mem>> -> memref<1x!tpu.dma_semaphore, #tpu.memory_space<semaphore_mem>>
      %dma_wait3A_946 = tpu.memref_squeeze %dma_wait3A_945 : memref<1x!tpu.dma_semaphore, #tpu.memory_space<semaphore_mem>> -> memref<!tpu.dma_semaphore, #tpu.memory_space<semaphore_mem>>
      tpu.wait_indirect_dma semaphore(%dma_wait3A_946 : memref<!tpu.dma_semaphore, #tpu.memory_space<semaphore_mem>>) src(%dma_wait3A_944 : memref<100000x1024xf32, #tpu.memory_space<hbm>>) dst(%dma_wait3A_940 : memref<8x1024xf32, #tpu.memory_space<vmem>>)
      %mul3A_947 = arith.constant 8 : i32
      %mul3A_948 = arith.muli %add3A_893, %mul3A_947 : i32
      %add3A_949 = arith.addi %mul3A_32, %mul3A_948 : i32
      %dma_start3A_950 = arith.constant 5 : i32
      %dma_start3A_951 = arith.constant 5 : i32
      %dma_start3A_952 = arith.constant 0 : i32
      %dma_start3A_953 = arith.constant 0 : i32
      %dma_start3A_954 = tpu.memref_slice %arg6[%dma_start3A_950, %dma_start3A_952, %dma_start3A_953] : memref<8x8x1024xf32, #tpu.memory_space<vmem>> -> memref<1x8x1024xf32, #tpu.memory_space<vmem>>
      %dma_start3A_955 = tpu.memref_squeeze %dma_start3A_954 : memref<1x8x1024xf32, #tpu.memory_space<vmem>> -> memref<8x1024xf32, #tpu.memory_space<vmem>>
      %dma_start3A_956 = arith.constant 0 : i32
      %dma_start3A_957 = tpu.memref_slice %arg4[%select_n3A, %add3A_949, %dma_start3A_956] : memref<4x4096x1024xf32, #tpu.memory_space<hbm>> -> memref<1x8x1024xf32, #tpu.memory_space<hbm>>
      %dma_start3A_958 = tpu.memref_squeeze %dma_start3A_957 : memref<1x8x1024xf32, #tpu.memory_space<hbm>> -> memref<8x1024xf32, #tpu.memory_space<hbm>>
      %dma_start3A_959 = tpu.memref_slice %arg8[%dma_start3A_951] : memref<8x!tpu.dma_semaphore, #tpu.memory_space<semaphore_mem>> -> memref<1x!tpu.dma_semaphore, #tpu.memory_space<semaphore_mem>>
      %dma_start3A_960 = tpu.memref_squeeze %dma_start3A_959 : memref<1x!tpu.dma_semaphore, #tpu.memory_space<semaphore_mem>> -> memref<!tpu.dma_semaphore, #tpu.memory_space<semaphore_mem>>
      %dma_start3A_961 = arith.constant 0 : i32
      %dma_start3A_962 = tpu.memref_slice %arg4[%select_n3A, %add3A_949, %dma_start3A_961] : memref<4x4096x1024xf32, #tpu.memory_space<hbm>> -> memref<1x8x1024xf32, #tpu.memory_space<hbm>>
      %dma_start3A_963 = tpu.memref_squeeze %dma_start3A_962 : memref<1x8x1024xf32, #tpu.memory_space<hbm>> -> memref<8x1024xf32, #tpu.memory_space<hbm>>
      %dma_start3A_964 = arith.constant 0 : i32
      %dma_start3A_965 = arith.constant 0 : i32
      %dma_start3A_966 = tpu.memref_slice %arg6[%dma_start3A_950, %dma_start3A_964, %dma_start3A_965] : memref<8x8x1024xf32, #tpu.memory_space<vmem>> -> memref<1x8x1024xf32, #tpu.memory_space<vmem>>
      %dma_start3A_967 = tpu.memref_squeeze %dma_start3A_966 : memref<1x8x1024xf32, #tpu.memory_space<vmem>> -> memref<8x1024xf32, #tpu.memory_space<vmem>>
      tpu.enqueue_dma source(%dma_start3A_967 : memref<8x1024xf32, #tpu.memory_space<vmem>>) target(%dma_start3A_963 : memref<8x1024xf32, #tpu.memory_space<hbm>>) target_semaphore(%dma_start3A_960 : memref<!tpu.dma_semaphore, #tpu.memory_space<semaphore_mem>>)
      %add3A_968 = arith.constant 5 : i32
      %add3A_969 = arith.addi %add3A_587, %add3A_968 : i32
      %sub3A_970 = arith.constant 1 : i32
      %sub3A_971 = arith.subi %add3A_969, %sub3A_970 : i32
      %mul3A_972 = arith.constant 8 : i32
      %mul3A_973 = arith.muli %sub3A_971, %mul3A_972 : i32
      %add3A_974 = arith.addi %mul3A_32, %mul3A_973 : i32
      %dma_wait3A_975 = arith.constant 5 : i32
      %dma_wait3A_976 = arith.constant 5 : i32
      %dma_wait3A_977 = arith.constant 0 : i32
      %dma_wait3A_978 = arith.constant 0 : i32
      %dma_wait3A_979 = tpu.memref_slice %arg6[%dma_wait3A_975, %dma_wait3A_977, %dma_wait3A_978] : memref<8x8x1024xf32, #tpu.memory_space<vmem>> -> memref<1x8x1024xf32, #tpu.memory_space<vmem>>
      %dma_wait3A_980 = tpu.memref_squeeze %dma_wait3A_979 : memref<1x8x1024xf32, #tpu.memory_space<vmem>> -> memref<8x1024xf32, #tpu.memory_space<vmem>>
      %dma_wait3A_981 = arith.constant 0 : i32
      %dma_wait3A_982 = tpu.memref_slice %arg4[%select_n3A, %add3A_974, %dma_wait3A_981] : memref<4x4096x1024xf32, #tpu.memory_space<hbm>> -> memref<1x8x1024xf32, #tpu.memory_space<hbm>>
      %dma_wait3A_983 = tpu.memref_squeeze %dma_wait3A_982 : memref<1x8x1024xf32, #tpu.memory_space<hbm>> -> memref<8x1024xf32, #tpu.memory_space<hbm>>
      %dma_wait3A_984 = tpu.memref_slice %arg8[%dma_wait3A_976] : memref<8x!tpu.dma_semaphore, #tpu.memory_space<semaphore_mem>> -> memref<1x!tpu.dma_semaphore, #tpu.memory_space<semaphore_mem>>
      %dma_wait3A_985 = tpu.memref_squeeze %dma_wait3A_984 : memref<1x!tpu.dma_semaphore, #tpu.memory_space<semaphore_mem>> -> memref<!tpu.dma_semaphore, #tpu.memory_space<semaphore_mem>>
      %dma_wait3A_986 = arith.constant 0 : i32
      %dma_wait3A_987 = tpu.memref_slice %arg4[%select_n3A, %add3A_974, %dma_wait3A_986] : memref<4x4096x1024xf32, #tpu.memory_space<hbm>> -> memref<1x8x1024xf32, #tpu.memory_space<hbm>>
      %dma_wait3A_988 = tpu.memref_squeeze %dma_wait3A_987 : memref<1x8x1024xf32, #tpu.memory_space<hbm>> -> memref<8x1024xf32, #tpu.memory_space<hbm>>
      %dma_wait3A_989 = arith.constant 0 : i32
      %dma_wait3A_990 = arith.constant 0 : i32
      %dma_wait3A_991 = tpu.memref_slice %arg6[%dma_wait3A_975, %dma_wait3A_989, %dma_wait3A_990] : memref<8x8x1024xf32, #tpu.memory_space<vmem>> -> memref<1x8x1024xf32, #tpu.memory_space<vmem>>
      %dma_wait3A_992 = tpu.memref_squeeze %dma_wait3A_991 : memref<1x8x1024xf32, #tpu.memory_space<vmem>> -> memref<8x1024xf32, #tpu.memory_space<vmem>>
      tpu.wait_dma2 semaphore(%dma_wait3A_985 : memref<!tpu.dma_semaphore, #tpu.memory_space<semaphore_mem>>) src(%dma_wait3A_992 : memref<8x1024xf32, #tpu.memory_space<vmem>>) dst(%dma_wait3A_988 : memref<8x1024xf32, #tpu.memory_space<hbm>>)
      %add3A_993 = arith.constant 7 : i32
      %add3A_994 = arith.addi %add3A_969, %add3A_993 : i32
      %mul3A_995 = arith.constant 8 : i32
      %mul3A_996 = arith.muli %add3A_994, %mul3A_995 : i32
      %dma_start3A_997 = arith.constant 5 : i32
      %dma_start3A_998 = arith.constant 5 : i32
      %dma_start3A_999 = arith.constant 0 : i32
      %dma_start3A_1000 = arith.constant 0 : i32
      %dma_start3A_1001 = tpu.memref_slice %arg6[%dma_start3A_997, %dma_start3A_999, %dma_start3A_1000] : memref<8x8x1024xf32, #tpu.memory_space<vmem>> -> memref<1x8x1024xf32, #tpu.memory_space<vmem>>
      %dma_start3A_1002 = tpu.memref_squeeze %dma_start3A_1001 : memref<1x8x1024xf32, #tpu.memory_space<vmem>> -> memref<8x1024xf32, #tpu.memory_space<vmem>>
      %dma_start3A_1003 = tpu.memref_slice %arg5[%mul3A_996] : memref<512xi32, #tpu.memory_space<vmem>> -> memref<8xi32, #tpu.memory_space<vmem>>
      %dma_start3A_1004 = arith.constant 0 : i32
      %dma_start3A_1005 = arith.constant 0 : i32
      %dma_start3A_1006 = tpu.memref_slice %arg2[%dma_start3A_1004, %dma_start3A_1005] : memref<100000x1024xf32, #tpu.memory_space<hbm>> -> memref<100000x1024xf32, #tpu.memory_space<hbm>>
      %dma_start3A_1007 = tpu.memref_slice %arg7[%dma_start3A_998] : memref<8x!tpu.dma_semaphore, #tpu.memory_space<semaphore_mem>> -> memref<1x!tpu.dma_semaphore, #tpu.memory_space<semaphore_mem>>
      %dma_start3A_1008 = tpu.memref_squeeze %dma_start3A_1007 : memref<1x!tpu.dma_semaphore, #tpu.memory_space<semaphore_mem>> -> memref<!tpu.dma_semaphore, #tpu.memory_space<semaphore_mem>>
      tpu.enqueue_indirect_dma source(%dma_start3A_1006 : memref<100000x1024xf32, #tpu.memory_space<hbm>>) target(%dma_start3A_1002 : memref<8x1024xf32, #tpu.memory_space<vmem>>) offsets(%dma_start3A_1003 : memref<8xi32, #tpu.memory_space<vmem>>) semaphore(%dma_start3A_1008 : memref<!tpu.dma_semaphore, #tpu.memory_space<semaphore_mem>>)
      %mul3A_1009 = arith.constant 8 : i32
      %mul3A_1010 = arith.muli %add3A_969, %mul3A_1009 : i32
      %dma_wait3A_1011 = arith.constant 6 : i32
      %dma_wait3A_1012 = arith.constant 6 : i32
      %dma_wait3A_1013 = arith.constant 0 : i32
      %dma_wait3A_1014 = arith.constant 0 : i32
      %dma_wait3A_1015 = tpu.memref_slice %arg6[%dma_wait3A_1011, %dma_wait3A_1013, %dma_wait3A_1014] : memref<8x8x1024xf32, #tpu.memory_space<vmem>> -> memref<1x8x1024xf32, #tpu.memory_space<vmem>>
      %dma_wait3A_1016 = tpu.memref_squeeze %dma_wait3A_1015 : memref<1x8x1024xf32, #tpu.memory_space<vmem>> -> memref<8x1024xf32, #tpu.memory_space<vmem>>
      %dma_wait3A_1017 = tpu.memref_slice %arg5[%mul3A_1010] : memref<512xi32, #tpu.memory_space<vmem>> -> memref<8xi32, #tpu.memory_space<vmem>>
      %dma_wait3A_1018 = arith.constant 0 : i32
      %dma_wait3A_1019 = arith.constant 0 : i32
      %dma_wait3A_1020 = tpu.memref_slice %arg2[%dma_wait3A_1018, %dma_wait3A_1019] : memref<100000x1024xf32, #tpu.memory_space<hbm>> -> memref<100000x1024xf32, #tpu.memory_space<hbm>>
      %dma_wait3A_1021 = tpu.memref_slice %arg7[%dma_wait3A_1012] : memref<8x!tpu.dma_semaphore, #tpu.memory_space<semaphore_mem>> -> memref<1x!tpu.dma_semaphore, #tpu.memory_space<semaphore_mem>>
      %dma_wait3A_1022 = tpu.memref_squeeze %dma_wait3A_1021 : memref<1x!tpu.dma_semaphore, #tpu.memory_space<semaphore_mem>> -> memref<!tpu.dma_semaphore, #tpu.memory_space<semaphore_mem>>
      tpu.wait_indirect_dma semaphore(%dma_wait3A_1022 : memref<!tpu.dma_semaphore, #tpu.memory_space<semaphore_mem>>) src(%dma_wait3A_1020 : memref<100000x1024xf32, #tpu.memory_space<hbm>>) dst(%dma_wait3A_1016 : memref<8x1024xf32, #tpu.memory_space<vmem>>)
      %mul3A_1023 = arith.constant 8 : i32
      %mul3A_1024 = arith.muli %add3A_969, %mul3A_1023 : i32
      %add3A_1025 = arith.addi %mul3A_32, %mul3A_1024 : i32
      %dma_start3A_1026 = arith.constant 6 : i32
      %dma_start3A_1027 = arith.constant 6 : i32
      %dma_start3A_1028 = arith.constant 0 : i32
      %dma_start3A_1029 = arith.constant 0 : i32
      %dma_start3A_1030 = tpu.memref_slice %arg6[%dma_start3A_1026, %dma_start3A_1028, %dma_start3A_1029] : memref<8x8x1024xf32, #tpu.memory_space<vmem>> -> memref<1x8x1024xf32, #tpu.memory_space<vmem>>
      %dma_start3A_1031 = tpu.memref_squeeze %dma_start3A_1030 : memref<1x8x1024xf32, #tpu.memory_space<vmem>> -> memref<8x1024xf32, #tpu.memory_space<vmem>>
      %dma_start3A_1032 = arith.constant 0 : i32
      %dma_start3A_1033 = tpu.memref_slice %arg4[%select_n3A, %add3A_1025, %dma_start3A_1032] : memref<4x4096x1024xf32, #tpu.memory_space<hbm>> -> memref<1x8x1024xf32, #tpu.memory_space<hbm>>
      %dma_start3A_1034 = tpu.memref_squeeze %dma_start3A_1033 : memref<1x8x1024xf32, #tpu.memory_space<hbm>> -> memref<8x1024xf32, #tpu.memory_space<hbm>>
      %dma_start3A_1035 = tpu.memref_slice %arg8[%dma_start3A_1027] : memref<8x!tpu.dma_semaphore, #tpu.memory_space<semaphore_mem>> -> memref<1x!tpu.dma_semaphore, #tpu.memory_space<semaphore_mem>>
      %dma_start3A_1036 = tpu.memref_squeeze %dma_start3A_1035 : memref<1x!tpu.dma_semaphore, #tpu.memory_space<semaphore_mem>> -> memref<!tpu.dma_semaphore, #tpu.memory_space<semaphore_mem>>
      %dma_start3A_1037 = arith.constant 0 : i32
      %dma_start3A_1038 = tpu.memref_slice %arg4[%select_n3A, %add3A_1025, %dma_start3A_1037] : memref<4x4096x1024xf32, #tpu.memory_space<hbm>> -> memref<1x8x1024xf32, #tpu.memory_space<hbm>>
      %dma_start3A_1039 = tpu.memref_squeeze %dma_start3A_1038 : memref<1x8x1024xf32, #tpu.memory_space<hbm>> -> memref<8x1024xf32, #tpu.memory_space<hbm>>
      %dma_start3A_1040 = arith.constant 0 : i32
      %dma_start3A_1041 = arith.constant 0 : i32
      %dma_start3A_1042 = tpu.memref_slice %arg6[%dma_start3A_1026, %dma_start3A_1040, %dma_start3A_1041] : memref<8x8x1024xf32, #tpu.memory_space<vmem>> -> memref<1x8x1024xf32, #tpu.memory_space<vmem>>
      %dma_start3A_1043 = tpu.memref_squeeze %dma_start3A_1042 : memref<1x8x1024xf32, #tpu.memory_space<vmem>> -> memref<8x1024xf32, #tpu.memory_space<vmem>>
      tpu.enqueue_dma source(%dma_start3A_1043 : memref<8x1024xf32, #tpu.memory_space<vmem>>) target(%dma_start3A_1039 : memref<8x1024xf32, #tpu.memory_space<hbm>>) target_semaphore(%dma_start3A_1036 : memref<!tpu.dma_semaphore, #tpu.memory_space<semaphore_mem>>)
      %add3A_1044 = arith.constant 6 : i32
      %add3A_1045 = arith.addi %add3A_587, %add3A_1044 : i32
      %sub3A_1046 = arith.constant 1 : i32
      %sub3A_1047 = arith.subi %add3A_1045, %sub3A_1046 : i32
      %mul3A_1048 = arith.constant 8 : i32
      %mul3A_1049 = arith.muli %sub3A_1047, %mul3A_1048 : i32
      %add3A_1050 = arith.addi %mul3A_32, %mul3A_1049 : i32
      %dma_wait3A_1051 = arith.constant 6 : i32
      %dma_wait3A_1052 = arith.constant 6 : i32
      %dma_wait3A_1053 = arith.constant 0 : i32
      %dma_wait3A_1054 = arith.constant 0 : i32
      %dma_wait3A_1055 = tpu.memref_slice %arg6[%dma_wait3A_1051, %dma_wait3A_1053, %dma_wait3A_1054] : memref<8x8x1024xf32, #tpu.memory_space<vmem>> -> memref<1x8x1024xf32, #tpu.memory_space<vmem>>
      %dma_wait3A_1056 = tpu.memref_squeeze %dma_wait3A_1055 : memref<1x8x1024xf32, #tpu.memory_space<vmem>> -> memref<8x1024xf32, #tpu.memory_space<vmem>>
      %dma_wait3A_1057 = arith.constant 0 : i32
      %dma_wait3A_1058 = tpu.memref_slice %arg4[%select_n3A, %add3A_1050, %dma_wait3A_1057] : memref<4x4096x1024xf32, #tpu.memory_space<hbm>> -> memref<1x8x1024xf32, #tpu.memory_space<hbm>>
      %dma_wait3A_1059 = tpu.memref_squeeze %dma_wait3A_1058 : memref<1x8x1024xf32, #tpu.memory_space<hbm>> -> memref<8x1024xf32, #tpu.memory_space<hbm>>
      %dma_wait3A_1060 = tpu.memref_slice %arg8[%dma_wait3A_1052] : memref<8x!tpu.dma_semaphore, #tpu.memory_space<semaphore_mem>> -> memref<1x!tpu.dma_semaphore, #tpu.memory_space<semaphore_mem>>
      %dma_wait3A_1061 = tpu.memref_squeeze %dma_wait3A_1060 : memref<1x!tpu.dma_semaphore, #tpu.memory_space<semaphore_mem>> -> memref<!tpu.dma_semaphore, #tpu.memory_space<semaphore_mem>>
      %dma_wait3A_1062 = arith.constant 0 : i32
      %dma_wait3A_1063 = tpu.memref_slice %arg4[%select_n3A, %add3A_1050, %dma_wait3A_1062] : memref<4x4096x1024xf32, #tpu.memory_space<hbm>> -> memref<1x8x1024xf32, #tpu.memory_space<hbm>>
      %dma_wait3A_1064 = tpu.memref_squeeze %dma_wait3A_1063 : memref<1x8x1024xf32, #tpu.memory_space<hbm>> -> memref<8x1024xf32, #tpu.memory_space<hbm>>
      %dma_wait3A_1065 = arith.constant 0 : i32
      %dma_wait3A_1066 = arith.constant 0 : i32
      %dma_wait3A_1067 = tpu.memref_slice %arg6[%dma_wait3A_1051, %dma_wait3A_1065, %dma_wait3A_1066] : memref<8x8x1024xf32, #tpu.memory_space<vmem>> -> memref<1x8x1024xf32, #tpu.memory_space<vmem>>
      %dma_wait3A_1068 = tpu.memref_squeeze %dma_wait3A_1067 : memref<1x8x1024xf32, #tpu.memory_space<vmem>> -> memref<8x1024xf32, #tpu.memory_space<vmem>>
      tpu.wait_dma2 semaphore(%dma_wait3A_1061 : memref<!tpu.dma_semaphore, #tpu.memory_space<semaphore_mem>>) src(%dma_wait3A_1068 : memref<8x1024xf32, #tpu.memory_space<vmem>>) dst(%dma_wait3A_1064 : memref<8x1024xf32, #tpu.memory_space<hbm>>)
      %add3A_1069 = arith.constant 7 : i32
      %add3A_1070 = arith.addi %add3A_1045, %add3A_1069 : i32
      %mul3A_1071 = arith.constant 8 : i32
      %mul3A_1072 = arith.muli %add3A_1070, %mul3A_1071 : i32
      %dma_start3A_1073 = arith.constant 6 : i32
      %dma_start3A_1074 = arith.constant 6 : i32
      %dma_start3A_1075 = arith.constant 0 : i32
      %dma_start3A_1076 = arith.constant 0 : i32
      %dma_start3A_1077 = tpu.memref_slice %arg6[%dma_start3A_1073, %dma_start3A_1075, %dma_start3A_1076] : memref<8x8x1024xf32, #tpu.memory_space<vmem>> -> memref<1x8x1024xf32, #tpu.memory_space<vmem>>
      %dma_start3A_1078 = tpu.memref_squeeze %dma_start3A_1077 : memref<1x8x1024xf32, #tpu.memory_space<vmem>> -> memref<8x1024xf32, #tpu.memory_space<vmem>>
      %dma_start3A_1079 = tpu.memref_slice %arg5[%mul3A_1072] : memref<512xi32, #tpu.memory_space<vmem>> -> memref<8xi32, #tpu.memory_space<vmem>>
      %dma_start3A_1080 = arith.constant 0 : i32
      %dma_start3A_1081 = arith.constant 0 : i32
      %dma_start3A_1082 = tpu.memref_slice %arg2[%dma_start3A_1080, %dma_start3A_1081] : memref<100000x1024xf32, #tpu.memory_space<hbm>> -> memref<100000x1024xf32, #tpu.memory_space<hbm>>
      %dma_start3A_1083 = tpu.memref_slice %arg7[%dma_start3A_1074] : memref<8x!tpu.dma_semaphore, #tpu.memory_space<semaphore_mem>> -> memref<1x!tpu.dma_semaphore, #tpu.memory_space<semaphore_mem>>
      %dma_start3A_1084 = tpu.memref_squeeze %dma_start3A_1083 : memref<1x!tpu.dma_semaphore, #tpu.memory_space<semaphore_mem>> -> memref<!tpu.dma_semaphore, #tpu.memory_space<semaphore_mem>>
      tpu.enqueue_indirect_dma source(%dma_start3A_1082 : memref<100000x1024xf32, #tpu.memory_space<hbm>>) target(%dma_start3A_1078 : memref<8x1024xf32, #tpu.memory_space<vmem>>) offsets(%dma_start3A_1079 : memref<8xi32, #tpu.memory_space<vmem>>) semaphore(%dma_start3A_1084 : memref<!tpu.dma_semaphore, #tpu.memory_space<semaphore_mem>>)
      %mul3A_1085 = arith.constant 8 : i32
      %mul3A_1086 = arith.muli %add3A_1045, %mul3A_1085 : i32
      %dma_wait3A_1087 = arith.constant 7 : i32
      %dma_wait3A_1088 = arith.constant 7 : i32
      %dma_wait3A_1089 = arith.constant 0 : i32
      %dma_wait3A_1090 = arith.constant 0 : i32
      %dma_wait3A_1091 = tpu.memref_slice %arg6[%dma_wait3A_1087, %dma_wait3A_1089, %dma_wait3A_1090] : memref<8x8x1024xf32, #tpu.memory_space<vmem>> -> memref<1x8x1024xf32, #tpu.memory_space<vmem>>
      %dma_wait3A_1092 = tpu.memref_squeeze %dma_wait3A_1091 : memref<1x8x1024xf32, #tpu.memory_space<vmem>> -> memref<8x1024xf32, #tpu.memory_space<vmem>>
      %dma_wait3A_1093 = tpu.memref_slice %arg5[%mul3A_1086] : memref<512xi32, #tpu.memory_space<vmem>> -> memref<8xi32, #tpu.memory_space<vmem>>
      %dma_wait3A_1094 = arith.constant 0 : i32
      %dma_wait3A_1095 = arith.constant 0 : i32
      %dma_wait3A_1096 = tpu.memref_slice %arg2[%dma_wait3A_1094, %dma_wait3A_1095] : memref<100000x1024xf32, #tpu.memory_space<hbm>> -> memref<100000x1024xf32, #tpu.memory_space<hbm>>
      %dma_wait3A_1097 = tpu.memref_slice %arg7[%dma_wait3A_1088] : memref<8x!tpu.dma_semaphore, #tpu.memory_space<semaphore_mem>> -> memref<1x!tpu.dma_semaphore, #tpu.memory_space<semaphore_mem>>
      %dma_wait3A_1098 = tpu.memref_squeeze %dma_wait3A_1097 : memref<1x!tpu.dma_semaphore, #tpu.memory_space<semaphore_mem>> -> memref<!tpu.dma_semaphore, #tpu.memory_space<semaphore_mem>>
      tpu.wait_indirect_dma semaphore(%dma_wait3A_1098 : memref<!tpu.dma_semaphore, #tpu.memory_space<semaphore_mem>>) src(%dma_wait3A_1096 : memref<100000x1024xf32, #tpu.memory_space<hbm>>) dst(%dma_wait3A_1092 : memref<8x1024xf32, #tpu.memory_space<vmem>>)
      %mul3A_1099 = arith.constant 8 : i32
      %mul3A_1100 = arith.muli %add3A_1045, %mul3A_1099 : i32
      %add3A_1101 = arith.addi %mul3A_32, %mul3A_1100 : i32
      %dma_start3A_1102 = arith.constant 7 : i32
      %dma_start3A_1103 = arith.constant 7 : i32
      %dma_start3A_1104 = arith.constant 0 : i32
      %dma_start3A_1105 = arith.constant 0 : i32
      %dma_start3A_1106 = tpu.memref_slice %arg6[%dma_start3A_1102, %dma_start3A_1104, %dma_start3A_1105] : memref<8x8x1024xf32, #tpu.memory_space<vmem>> -> memref<1x8x1024xf32, #tpu.memory_space<vmem>>
      %dma_start3A_1107 = tpu.memref_squeeze %dma_start3A_1106 : memref<1x8x1024xf32, #tpu.memory_space<vmem>> -> memref<8x1024xf32, #tpu.memory_space<vmem>>
      %dma_start3A_1108 = arith.constant 0 : i32
      %dma_start3A_1109 = tpu.memref_slice %arg4[%select_n3A, %add3A_1101, %dma_start3A_1108] : memref<4x4096x1024xf32, #tpu.memory_space<hbm>> -> memref<1x8x1024xf32, #tpu.memory_space<hbm>>
      %dma_start3A_1110 = tpu.memref_squeeze %dma_start3A_1109 : memref<1x8x1024xf32, #tpu.memory_space<hbm>> -> memref<8x1024xf32, #tpu.memory_space<hbm>>
      %dma_start3A_1111 = tpu.memref_slice %arg8[%dma_start3A_1103] : memref<8x!tpu.dma_semaphore, #tpu.memory_space<semaphore_mem>> -> memref<1x!tpu.dma_semaphore, #tpu.memory_space<semaphore_mem>>
      %dma_start3A_1112 = tpu.memref_squeeze %dma_start3A_1111 : memref<1x!tpu.dma_semaphore, #tpu.memory_space<semaphore_mem>> -> memref<!tpu.dma_semaphore, #tpu.memory_space<semaphore_mem>>
      %dma_start3A_1113 = arith.constant 0 : i32
      %dma_start3A_1114 = tpu.memref_slice %arg4[%select_n3A, %add3A_1101, %dma_start3A_1113] : memref<4x4096x1024xf32, #tpu.memory_space<hbm>> -> memref<1x8x1024xf32, #tpu.memory_space<hbm>>
      %dma_start3A_1115 = tpu.memref_squeeze %dma_start3A_1114 : memref<1x8x1024xf32, #tpu.memory_space<hbm>> -> memref<8x1024xf32, #tpu.memory_space<hbm>>
      %dma_start3A_1116 = arith.constant 0 : i32
      %dma_start3A_1117 = arith.constant 0 : i32
      %dma_start3A_1118 = tpu.memref_slice %arg6[%dma_start3A_1102, %dma_start3A_1116, %dma_start3A_1117] : memref<8x8x1024xf32, #tpu.memory_space<vmem>> -> memref<1x8x1024xf32, #tpu.memory_space<vmem>>
      %dma_start3A_1119 = tpu.memref_squeeze %dma_start3A_1118 : memref<1x8x1024xf32, #tpu.memory_space<vmem>> -> memref<8x1024xf32, #tpu.memory_space<vmem>>
      tpu.enqueue_dma source(%dma_start3A_1119 : memref<8x1024xf32, #tpu.memory_space<vmem>>) target(%dma_start3A_1115 : memref<8x1024xf32, #tpu.memory_space<hbm>>) target_semaphore(%dma_start3A_1112 : memref<!tpu.dma_semaphore, #tpu.memory_space<semaphore_mem>>)
      %add3A_1120 = arith.constant 7 : i32
      %add3A_1121 = arith.addi %add3A_587, %add3A_1120 : i32
      %sub3A_1122 = arith.constant 1 : i32
      %sub3A_1123 = arith.subi %add3A_1121, %sub3A_1122 : i32
      %mul3A_1124 = arith.constant 8 : i32
      %mul3A_1125 = arith.muli %sub3A_1123, %mul3A_1124 : i32
      %add3A_1126 = arith.addi %mul3A_32, %mul3A_1125 : i32
      %dma_wait3A_1127 = arith.constant 7 : i32
      %dma_wait3A_1128 = arith.constant 7 : i32
      %dma_wait3A_1129 = arith.constant 0 : i32
      %dma_wait3A_1130 = arith.constant 0 : i32
      %dma_wait3A_1131 = tpu.memref_slice %arg6[%dma_wait3A_1127, %dma_wait3A_1129, %dma_wait3A_1130] : memref<8x8x1024xf32, #tpu.memory_space<vmem>> -> memref<1x8x1024xf32, #tpu.memory_space<vmem>>
      %dma_wait3A_1132 = tpu.memref_squeeze %dma_wait3A_1131 : memref<1x8x1024xf32, #tpu.memory_space<vmem>> -> memref<8x1024xf32, #tpu.memory_space<vmem>>
      %dma_wait3A_1133 = arith.constant 0 : i32
      %dma_wait3A_1134 = tpu.memref_slice %arg4[%select_n3A, %add3A_1126, %dma_wait3A_1133] : memref<4x4096x1024xf32, #tpu.memory_space<hbm>> -> memref<1x8x1024xf32, #tpu.memory_space<hbm>>
      %dma_wait3A_1135 = tpu.memref_squeeze %dma_wait3A_1134 : memref<1x8x1024xf32, #tpu.memory_space<hbm>> -> memref<8x1024xf32, #tpu.memory_space<hbm>>
      %dma_wait3A_1136 = tpu.memref_slice %arg8[%dma_wait3A_1128] : memref<8x!tpu.dma_semaphore, #tpu.memory_space<semaphore_mem>> -> memref<1x!tpu.dma_semaphore, #tpu.memory_space<semaphore_mem>>
      %dma_wait3A_1137 = tpu.memref_squeeze %dma_wait3A_1136 : memref<1x!tpu.dma_semaphore, #tpu.memory_space<semaphore_mem>> -> memref<!tpu.dma_semaphore, #tpu.memory_space<semaphore_mem>>
      %dma_wait3A_1138 = arith.constant 0 : i32
      %dma_wait3A_1139 = tpu.memref_slice %arg4[%select_n3A, %add3A_1126, %dma_wait3A_1138] : memref<4x4096x1024xf32, #tpu.memory_space<hbm>> -> memref<1x8x1024xf32, #tpu.memory_space<hbm>>
      %dma_wait3A_1140 = tpu.memref_squeeze %dma_wait3A_1139 : memref<1x8x1024xf32, #tpu.memory_space<hbm>> -> memref<8x1024xf32, #tpu.memory_space<hbm>>
      %dma_wait3A_1141 = arith.constant 0 : i32
      %dma_wait3A_1142 = arith.constant 0 : i32
      %dma_wait3A_1143 = tpu.memref_slice %arg6[%dma_wait3A_1127, %dma_wait3A_1141, %dma_wait3A_1142] : memref<8x8x1024xf32, #tpu.memory_space<vmem>> -> memref<1x8x1024xf32, #tpu.memory_space<vmem>>
      %dma_wait3A_1144 = tpu.memref_squeeze %dma_wait3A_1143 : memref<1x8x1024xf32, #tpu.memory_space<vmem>> -> memref<8x1024xf32, #tpu.memory_space<vmem>>
      tpu.wait_dma2 semaphore(%dma_wait3A_1137 : memref<!tpu.dma_semaphore, #tpu.memory_space<semaphore_mem>>) src(%dma_wait3A_1144 : memref<8x1024xf32, #tpu.memory_space<vmem>>) dst(%dma_wait3A_1140 : memref<8x1024xf32, #tpu.memory_space<hbm>>)
      %add3A_1145 = arith.constant 7 : i32
      %add3A_1146 = arith.addi %add3A_1121, %add3A_1145 : i32
      %mul3A_1147 = arith.constant 8 : i32
      %mul3A_1148 = arith.muli %add3A_1146, %mul3A_1147 : i32
      %dma_start3A_1149 = arith.constant 7 : i32
      %dma_start3A_1150 = arith.constant 7 : i32
      %dma_start3A_1151 = arith.constant 0 : i32
      %dma_start3A_1152 = arith.constant 0 : i32
      %dma_start3A_1153 = tpu.memref_slice %arg6[%dma_start3A_1149, %dma_start3A_1151, %dma_start3A_1152] : memref<8x8x1024xf32, #tpu.memory_space<vmem>> -> memref<1x8x1024xf32, #tpu.memory_space<vmem>>
      %dma_start3A_1154 = tpu.memref_squeeze %dma_start3A_1153 : memref<1x8x1024xf32, #tpu.memory_space<vmem>> -> memref<8x1024xf32, #tpu.memory_space<vmem>>
      %dma_start3A_1155 = tpu.memref_slice %arg5[%mul3A_1148] : memref<512xi32, #tpu.memory_space<vmem>> -> memref<8xi32, #tpu.memory_space<vmem>>
      %dma_start3A_1156 = arith.constant 0 : i32
      %dma_start3A_1157 = arith.constant 0 : i32
      %dma_start3A_1158 = tpu.memref_slice %arg2[%dma_start3A_1156, %dma_start3A_1157] : memref<100000x1024xf32, #tpu.memory_space<hbm>> -> memref<100000x1024xf32, #tpu.memory_space<hbm>>
      %dma_start3A_1159 = tpu.memref_slice %arg7[%dma_start3A_1150] : memref<8x!tpu.dma_semaphore, #tpu.memory_space<semaphore_mem>> -> memref<1x!tpu.dma_semaphore, #tpu.memory_space<semaphore_mem>>
      %dma_start3A_1160 = tpu.memref_squeeze %dma_start3A_1159 : memref<1x!tpu.dma_semaphore, #tpu.memory_space<semaphore_mem>> -> memref<!tpu.dma_semaphore, #tpu.memory_space<semaphore_mem>>
      tpu.enqueue_indirect_dma source(%dma_start3A_1158 : memref<100000x1024xf32, #tpu.memory_space<hbm>>) target(%dma_start3A_1154 : memref<8x1024xf32, #tpu.memory_space<vmem>>) offsets(%dma_start3A_1155 : memref<8xi32, #tpu.memory_space<vmem>>) semaphore(%dma_start3A_1160 : memref<!tpu.dma_semaphore, #tpu.memory_space<semaphore_mem>>)
      %mul3A_1161 = arith.constant 8 : i32
      %mul3A_1162 = arith.muli %add3A_1121, %mul3A_1161 : i32
      %dma_wait3A_1163 = arith.constant 0 : i32
      %dma_wait3A_1164 = arith.constant 0 : i32
      %dma_wait3A_1165 = arith.constant 0 : i32
      %dma_wait3A_1166 = arith.constant 0 : i32
      %dma_wait3A_1167 = tpu.memref_slice %arg6[%dma_wait3A_1163, %dma_wait3A_1165, %dma_wait3A_1166] : memref<8x8x1024xf32, #tpu.memory_space<vmem>> -> memref<1x8x1024xf32, #tpu.memory_space<vmem>>
      %dma_wait3A_1168 = tpu.memref_squeeze %dma_wait3A_1167 : memref<1x8x1024xf32, #tpu.memory_space<vmem>> -> memref<8x1024xf32, #tpu.memory_space<vmem>>
      %dma_wait3A_1169 = tpu.memref_slice %arg5[%mul3A_1162] : memref<512xi32, #tpu.memory_space<vmem>> -> memref<8xi32, #tpu.memory_space<vmem>>
      %dma_wait3A_1170 = arith.constant 0 : i32
      %dma_wait3A_1171 = arith.constant 0 : i32
      %dma_wait3A_1172 = tpu.memref_slice %arg2[%dma_wait3A_1170, %dma_wait3A_1171] : memref<100000x1024xf32, #tpu.memory_space<hbm>> -> memref<100000x1024xf32, #tpu.memory_space<hbm>>
      %dma_wait3A_1173 = tpu.memref_slice %arg7[%dma_wait3A_1164] : memref<8x!tpu.dma_semaphore, #tpu.memory_space<semaphore_mem>> -> memref<1x!tpu.dma_semaphore, #tpu.memory_space<semaphore_mem>>
      %dma_wait3A_1174 = tpu.memref_squeeze %dma_wait3A_1173 : memref<1x!tpu.dma_semaphore, #tpu.memory_space<semaphore_mem>> -> memref<!tpu.dma_semaphore, #tpu.memory_space<semaphore_mem>>
      tpu.wait_indirect_dma semaphore(%dma_wait3A_1174 : memref<!tpu.dma_semaphore, #tpu.memory_space<semaphore_mem>>) src(%dma_wait3A_1172 : memref<100000x1024xf32, #tpu.memory_space<hbm>>) dst(%dma_wait3A_1168 : memref<8x1024xf32, #tpu.memory_space<vmem>>)
      %mul3A_1175 = arith.constant 8 : i32
      %mul3A_1176 = arith.muli %add3A_1121, %mul3A_1175 : i32
      %add3A_1177 = arith.addi %mul3A_32, %mul3A_1176 : i32
      %dma_start3A_1178 = arith.constant 0 : i32
      %dma_start3A_1179 = arith.constant 0 : i32
      %dma_start3A_1180 = arith.constant 0 : i32
      %dma_start3A_1181 = arith.constant 0 : i32
      %dma_start3A_1182 = tpu.memref_slice %arg6[%dma_start3A_1178, %dma_start3A_1180, %dma_start3A_1181] : memref<8x8x1024xf32, #tpu.memory_space<vmem>> -> memref<1x8x1024xf32, #tpu.memory_space<vmem>>
      %dma_start3A_1183 = tpu.memref_squeeze %dma_start3A_1182 : memref<1x8x1024xf32, #tpu.memory_space<vmem>> -> memref<8x1024xf32, #tpu.memory_space<vmem>>
      %dma_start3A_1184 = arith.constant 0 : i32
      %dma_start3A_1185 = tpu.memref_slice %arg4[%select_n3A, %add3A_1177, %dma_start3A_1184] : memref<4x4096x1024xf32, #tpu.memory_space<hbm>> -> memref<1x8x1024xf32, #tpu.memory_space<hbm>>
      %dma_start3A_1186 = tpu.memref_squeeze %dma_start3A_1185 : memref<1x8x1024xf32, #tpu.memory_space<hbm>> -> memref<8x1024xf32, #tpu.memory_space<hbm>>
      %dma_start3A_1187 = tpu.memref_slice %arg8[%dma_start3A_1179] : memref<8x!tpu.dma_semaphore, #tpu.memory_space<semaphore_mem>> -> memref<1x!tpu.dma_semaphore, #tpu.memory_space<semaphore_mem>>
      %dma_start3A_1188 = tpu.memref_squeeze %dma_start3A_1187 : memref<1x!tpu.dma_semaphore, #tpu.memory_space<semaphore_mem>> -> memref<!tpu.dma_semaphore, #tpu.memory_space<semaphore_mem>>
      %dma_start3A_1189 = arith.constant 0 : i32
      %dma_start3A_1190 = tpu.memref_slice %arg4[%select_n3A, %add3A_1177, %dma_start3A_1189] : memref<4x4096x1024xf32, #tpu.memory_space<hbm>> -> memref<1x8x1024xf32, #tpu.memory_space<hbm>>
      %dma_start3A_1191 = tpu.memref_squeeze %dma_start3A_1190 : memref<1x8x1024xf32, #tpu.memory_space<hbm>> -> memref<8x1024xf32, #tpu.memory_space<hbm>>
      %dma_start3A_1192 = arith.constant 0 : i32
      %dma_start3A_1193 = arith.constant 0 : i32
      %dma_start3A_1194 = tpu.memref_slice %arg6[%dma_start3A_1178, %dma_start3A_1192, %dma_start3A_1193] : memref<8x8x1024xf32, #tpu.memory_space<vmem>> -> memref<1x8x1024xf32, #tpu.memory_space<vmem>>
      %dma_start3A_1195 = tpu.memref_squeeze %dma_start3A_1194 : memref<1x8x1024xf32, #tpu.memory_space<vmem>> -> memref<8x1024xf32, #tpu.memory_space<vmem>>
      tpu.enqueue_dma source(%dma_start3A_1195 : memref<8x1024xf32, #tpu.memory_space<vmem>>) target(%dma_start3A_1191 : memref<8x1024xf32, #tpu.memory_space<hbm>>) target_semaphore(%dma_start3A_1188 : memref<!tpu.dma_semaphore, #tpu.memory_space<semaphore_mem>>)
    }
    %scan3A_191 = arith.constant 7 : i32
    %add3A_192 = arith.constant 448 : i32
    %add3A_193 = arith.addi %mul3A_32, %add3A_192 : i32
    %dma_wait3A_194 = arith.constant 0 : i32
    %dma_wait3A_195 = arith.constant 0 : i32
    %dma_wait3A_196 = arith.constant 0 : i32
    %dma_wait3A_197 = arith.constant 0 : i32
    %dma_wait3A_198 = tpu.memref_slice %arg6[%dma_wait3A_194, %dma_wait3A_196, %dma_wait3A_197] : memref<8x8x1024xf32, #tpu.memory_space<vmem>> -> memref<1x8x1024xf32, #tpu.memory_space<vmem>>
    %dma_wait3A_199 = tpu.memref_squeeze %dma_wait3A_198 : memref<1x8x1024xf32, #tpu.memory_space<vmem>> -> memref<8x1024xf32, #tpu.memory_space<vmem>>
    %dma_wait3A_200 = arith.constant 0 : i32
    %dma_wait3A_201 = tpu.memref_slice %arg4[%select_n3A, %add3A_193, %dma_wait3A_200] : memref<4x4096x1024xf32, #tpu.memory_space<hbm>> -> memref<1x8x1024xf32, #tpu.memory_space<hbm>>
    %dma_wait3A_202 = tpu.memref_squeeze %dma_wait3A_201 : memref<1x8x1024xf32, #tpu.memory_space<hbm>> -> memref<8x1024xf32, #tpu.memory_space<hbm>>
    %dma_wait3A_203 = tpu.memref_slice %arg8[%dma_wait3A_195] : memref<8x!tpu.dma_semaphore, #tpu.memory_space<semaphore_mem>> -> memref<1x!tpu.dma_semaphore, #tpu.memory_space<semaphore_mem>>
    %dma_wait3A_204 = tpu.memref_squeeze %dma_wait3A_203 : memref<1x!tpu.dma_semaphore, #tpu.memory_space<semaphore_mem>> -> memref<!tpu.dma_semaphore, #tpu.memory_space<semaphore_mem>>
    %dma_wait3A_205 = arith.constant 0 : i32
    %dma_wait3A_206 = tpu.memref_slice %arg4[%select_n3A, %add3A_193, %dma_wait3A_205] : memref<4x4096x1024xf32, #tpu.memory_space<hbm>> -> memref<1x8x1024xf32, #tpu.memory_space<hbm>>
    %dma_wait3A_207 = tpu.memref_squeeze %dma_wait3A_206 : memref<1x8x1024xf32, #tpu.memory_space<hbm>> -> memref<8x1024xf32, #tpu.memory_space<hbm>>
    %dma_wait3A_208 = arith.constant 0 : i32
    %dma_wait3A_209 = arith.constant 0 : i32
    %dma_wait3A_210 = tpu.memref_slice %arg6[%dma_wait3A_194, %dma_wait3A_208, %dma_wait3A_209] : memref<8x8x1024xf32, #tpu.memory_space<vmem>> -> memref<1x8x1024xf32, #tpu.memory_space<vmem>>
    %dma_wait3A_211 = tpu.memref_squeeze %dma_wait3A_210 : memref<1x8x1024xf32, #tpu.memory_space<vmem>> -> memref<8x1024xf32, #tpu.memory_space<vmem>>
    tpu.wait_dma2 semaphore(%dma_wait3A_204 : memref<!tpu.dma_semaphore, #tpu.memory_space<semaphore_mem>>) src(%dma_wait3A_211 : memref<8x1024xf32, #tpu.memory_space<vmem>>) dst(%dma_wait3A_207 : memref<8x1024xf32, #tpu.memory_space<hbm>>)
    %dma_wait3A_212 = arith.constant 1 : i32
    %dma_wait3A_213 = arith.constant 1 : i32
    %dma_wait3A_214 = arith.constant 0 : i32
    %dma_wait3A_215 = arith.constant 0 : i32
    %dma_wait3A_216 = tpu.memref_slice %arg6[%dma_wait3A_212, %dma_wait3A_214, %dma_wait3A_215] : memref<8x8x1024xf32, #tpu.memory_space<vmem>> -> memref<1x8x1024xf32, #tpu.memory_space<vmem>>
    %dma_wait3A_217 = tpu.memref_squeeze %dma_wait3A_216 : memref<1x8x1024xf32, #tpu.memory_space<vmem>> -> memref<8x1024xf32, #tpu.memory_space<vmem>>
    %dma_wait3A_218 = arith.constant 456 : i32
    %dma_wait3A_219 = tpu.memref_slice %arg5[%dma_wait3A_218] : memref<512xi32, #tpu.memory_space<vmem>> -> memref<8xi32, #tpu.memory_space<vmem>>
    %dma_wait3A_220 = arith.constant 0 : i32
    %dma_wait3A_221 = arith.constant 0 : i32
    %dma_wait3A_222 = tpu.memref_slice %arg2[%dma_wait3A_220, %dma_wait3A_221] : memref<100000x1024xf32, #tpu.memory_space<hbm>> -> memref<100000x1024xf32, #tpu.memory_space<hbm>>
    %dma_wait3A_223 = tpu.memref_slice %arg7[%dma_wait3A_213] : memref<8x!tpu.dma_semaphore, #tpu.memory_space<semaphore_mem>> -> memref<1x!tpu.dma_semaphore, #tpu.memory_space<semaphore_mem>>
    %dma_wait3A_224 = tpu.memref_squeeze %dma_wait3A_223 : memref<1x!tpu.dma_semaphore, #tpu.memory_space<semaphore_mem>> -> memref<!tpu.dma_semaphore, #tpu.memory_space<semaphore_mem>>
    tpu.wait_indirect_dma semaphore(%dma_wait3A_224 : memref<!tpu.dma_semaphore, #tpu.memory_space<semaphore_mem>>) src(%dma_wait3A_222 : memref<100000x1024xf32, #tpu.memory_space<hbm>>) dst(%dma_wait3A_217 : memref<8x1024xf32, #tpu.memory_space<vmem>>)
    %add3A_225 = arith.constant 456 : i32
    %add3A_226 = arith.addi %mul3A_32, %add3A_225 : i32
    %dma_start3A_227 = arith.constant 1 : i32
    %dma_start3A_228 = arith.constant 1 : i32
    %dma_start3A_229 = arith.constant 0 : i32
    %dma_start3A_230 = arith.constant 0 : i32
    %dma_start3A_231 = tpu.memref_slice %arg6[%dma_start3A_227, %dma_start3A_229, %dma_start3A_230] : memref<8x8x1024xf32, #tpu.memory_space<vmem>> -> memref<1x8x1024xf32, #tpu.memory_space<vmem>>
    %dma_start3A_232 = tpu.memref_squeeze %dma_start3A_231 : memref<1x8x1024xf32, #tpu.memory_space<vmem>> -> memref<8x1024xf32, #tpu.memory_space<vmem>>
    %dma_start3A_233 = arith.constant 0 : i32
    %dma_start3A_234 = tpu.memref_slice %arg4[%select_n3A, %add3A_226, %dma_start3A_233] : memref<4x4096x1024xf32, #tpu.memory_space<hbm>> -> memref<1x8x1024xf32, #tpu.memory_space<hbm>>
    %dma_start3A_235 = tpu.memref_squeeze %dma_start3A_234 : memref<1x8x1024xf32, #tpu.memory_space<hbm>> -> memref<8x1024xf32, #tpu.memory_space<hbm>>
    %dma_start3A_236 = tpu.memref_slice %arg8[%dma_start3A_228] : memref<8x!tpu.dma_semaphore, #tpu.memory_space<semaphore_mem>> -> memref<1x!tpu.dma_semaphore, #tpu.memory_space<semaphore_mem>>
    %dma_start3A_237 = tpu.memref_squeeze %dma_start3A_236 : memref<1x!tpu.dma_semaphore, #tpu.memory_space<semaphore_mem>> -> memref<!tpu.dma_semaphore, #tpu.memory_space<semaphore_mem>>
    %dma_start3A_238 = arith.constant 0 : i32
    %dma_start3A_239 = tpu.memref_slice %arg4[%select_n3A, %add3A_226, %dma_start3A_238] : memref<4x4096x1024xf32, #tpu.memory_space<hbm>> -> memref<1x8x1024xf32, #tpu.memory_space<hbm>>
    %dma_start3A_240 = tpu.memref_squeeze %dma_start3A_239 : memref<1x8x1024xf32, #tpu.memory_space<hbm>> -> memref<8x1024xf32, #tpu.memory_space<hbm>>
    %dma_start3A_241 = arith.constant 0 : i32
    %dma_start3A_242 = arith.constant 0 : i32
    %dma_start3A_243 = tpu.memref_slice %arg6[%dma_start3A_227, %dma_start3A_241, %dma_start3A_242] : memref<8x8x1024xf32, #tpu.memory_space<vmem>> -> memref<1x8x1024xf32, #tpu.memory_space<vmem>>
    %dma_start3A_244 = tpu.memref_squeeze %dma_start3A_243 : memref<1x8x1024xf32, #tpu.memory_space<vmem>> -> memref<8x1024xf32, #tpu.memory_space<vmem>>
    tpu.enqueue_dma source(%dma_start3A_244 : memref<8x1024xf32, #tpu.memory_space<vmem>>) target(%dma_start3A_240 : memref<8x1024xf32, #tpu.memory_space<hbm>>) target_semaphore(%dma_start3A_237 : memref<!tpu.dma_semaphore, #tpu.memory_space<semaphore_mem>>)
    %add3A_245 = arith.constant 456 : i32
    %add3A_246 = arith.addi %mul3A_32, %add3A_245 : i32
    %dma_wait3A_247 = arith.constant 1 : i32
    %dma_wait3A_248 = arith.constant 1 : i32
    %dma_wait3A_249 = arith.constant 0 : i32
    %dma_wait3A_250 = arith.constant 0 : i32
    %dma_wait3A_251 = tpu.memref_slice %arg6[%dma_wait3A_247, %dma_wait3A_249, %dma_wait3A_250] : memref<8x8x1024xf32, #tpu.memory_space<vmem>> -> memref<1x8x1024xf32, #tpu.memory_space<vmem>>
    %dma_wait3A_252 = tpu.memref_squeeze %dma_wait3A_251 : memref<1x8x1024xf32, #tpu.memory_space<vmem>> -> memref<8x1024xf32, #tpu.memory_space<vmem>>
    %dma_wait3A_253 = arith.constant 0 : i32
    %dma_wait3A_254 = tpu.memref_slice %arg4[%select_n3A, %add3A_246, %dma_wait3A_253] : memref<4x4096x1024xf32, #tpu.memory_space<hbm>> -> memref<1x8x1024xf32, #tpu.memory_space<hbm>>
    %dma_wait3A_255 = tpu.memref_squeeze %dma_wait3A_254 : memref<1x8x1024xf32, #tpu.memory_space<hbm>> -> memref<8x1024xf32, #tpu.memory_space<hbm>>
    %dma_wait3A_256 = tpu.memref_slice %arg8[%dma_wait3A_248] : memref<8x!tpu.dma_semaphore, #tpu.memory_space<semaphore_mem>> -> memref<1x!tpu.dma_semaphore, #tpu.memory_space<semaphore_mem>>
    %dma_wait3A_257 = tpu.memref_squeeze %dma_wait3A_256 : memref<1x!tpu.dma_semaphore, #tpu.memory_space<semaphore_mem>> -> memref<!tpu.dma_semaphore, #tpu.memory_space<semaphore_mem>>
    %dma_wait3A_258 = arith.constant 0 : i32
    %dma_wait3A_259 = tpu.memref_slice %arg4[%select_n3A, %add3A_246, %dma_wait3A_258] : memref<4x4096x1024xf32, #tpu.memory_space<hbm>> -> memref<1x8x1024xf32, #tpu.memory_space<hbm>>
    %dma_wait3A_260 = tpu.memref_squeeze %dma_wait3A_259 : memref<1x8x1024xf32, #tpu.memory_space<hbm>> -> memref<8x1024xf32, #tpu.memory_space<hbm>>
    %dma_wait3A_261 = arith.constant 0 : i32
    %dma_wait3A_262 = arith.constant 0 : i32
    %dma_wait3A_263 = tpu.memref_slice %arg6[%dma_wait3A_247, %dma_wait3A_261, %dma_wait3A_262] : memref<8x8x1024xf32, #tpu.memory_space<vmem>> -> memref<1x8x1024xf32, #tpu.memory_space<vmem>>
    %dma_wait3A_264 = tpu.memref_squeeze %dma_wait3A_263 : memref<1x8x1024xf32, #tpu.memory_space<vmem>> -> memref<8x1024xf32, #tpu.memory_space<vmem>>
    tpu.wait_dma2 semaphore(%dma_wait3A_257 : memref<!tpu.dma_semaphore, #tpu.memory_space<semaphore_mem>>) src(%dma_wait3A_264 : memref<8x1024xf32, #tpu.memory_space<vmem>>) dst(%dma_wait3A_260 : memref<8x1024xf32, #tpu.memory_space<hbm>>)
    %dma_wait3A_265 = arith.constant 2 : i32
    %dma_wait3A_266 = arith.constant 2 : i32
    %dma_wait3A_267 = arith.constant 0 : i32
    %dma_wait3A_268 = arith.constant 0 : i32
    %dma_wait3A_269 = tpu.memref_slice %arg6[%dma_wait3A_265, %dma_wait3A_267, %dma_wait3A_268] : memref<8x8x1024xf32, #tpu.memory_space<vmem>> -> memref<1x8x1024xf32, #tpu.memory_space<vmem>>
    %dma_wait3A_270 = tpu.memref_squeeze %dma_wait3A_269 : memref<1x8x1024xf32, #tpu.memory_space<vmem>> -> memref<8x1024xf32, #tpu.memory_space<vmem>>
    %dma_wait3A_271 = arith.constant 464 : i32
    %dma_wait3A_272 = tpu.memref_slice %arg5[%dma_wait3A_271] : memref<512xi32, #tpu.memory_space<vmem>> -> memref<8xi32, #tpu.memory_space<vmem>>
    %dma_wait3A_273 = arith.constant 0 : i32
    %dma_wait3A_274 = arith.constant 0 : i32
    %dma_wait3A_275 = tpu.memref_slice %arg2[%dma_wait3A_273, %dma_wait3A_274] : memref<100000x1024xf32, #tpu.memory_space<hbm>> -> memref<100000x1024xf32, #tpu.memory_space<hbm>>
    %dma_wait3A_276 = tpu.memref_slice %arg7[%dma_wait3A_266] : memref<8x!tpu.dma_semaphore, #tpu.memory_space<semaphore_mem>> -> memref<1x!tpu.dma_semaphore, #tpu.memory_space<semaphore_mem>>
    %dma_wait3A_277 = tpu.memref_squeeze %dma_wait3A_276 : memref<1x!tpu.dma_semaphore, #tpu.memory_space<semaphore_mem>> -> memref<!tpu.dma_semaphore, #tpu.memory_space<semaphore_mem>>
    tpu.wait_indirect_dma semaphore(%dma_wait3A_277 : memref<!tpu.dma_semaphore, #tpu.memory_space<semaphore_mem>>) src(%dma_wait3A_275 : memref<100000x1024xf32, #tpu.memory_space<hbm>>) dst(%dma_wait3A_270 : memref<8x1024xf32, #tpu.memory_space<vmem>>)
    %add3A_278 = arith.constant 464 : i32
    %add3A_279 = arith.addi %mul3A_32, %add3A_278 : i32
    %dma_start3A_280 = arith.constant 2 : i32
    %dma_start3A_281 = arith.constant 2 : i32
    %dma_start3A_282 = arith.constant 0 : i32
    %dma_start3A_283 = arith.constant 0 : i32
    %dma_start3A_284 = tpu.memref_slice %arg6[%dma_start3A_280, %dma_start3A_282, %dma_start3A_283] : memref<8x8x1024xf32, #tpu.memory_space<vmem>> -> memref<1x8x1024xf32, #tpu.memory_space<vmem>>
    %dma_start3A_285 = tpu.memref_squeeze %dma_start3A_284 : memref<1x8x1024xf32, #tpu.memory_space<vmem>> -> memref<8x1024xf32, #tpu.memory_space<vmem>>
    %dma_start3A_286 = arith.constant 0 : i32
    %dma_start3A_287 = tpu.memref_slice %arg4[%select_n3A, %add3A_279, %dma_start3A_286] : memref<4x4096x1024xf32, #tpu.memory_space<hbm>> -> memref<1x8x1024xf32, #tpu.memory_space<hbm>>
    %dma_start3A_288 = tpu.memref_squeeze %dma_start3A_287 : memref<1x8x1024xf32, #tpu.memory_space<hbm>> -> memref<8x1024xf32, #tpu.memory_space<hbm>>
    %dma_start3A_289 = tpu.memref_slice %arg8[%dma_start3A_281] : memref<8x!tpu.dma_semaphore, #tpu.memory_space<semaphore_mem>> -> memref<1x!tpu.dma_semaphore, #tpu.memory_space<semaphore_mem>>
    %dma_start3A_290 = tpu.memref_squeeze %dma_start3A_289 : memref<1x!tpu.dma_semaphore, #tpu.memory_space<semaphore_mem>> -> memref<!tpu.dma_semaphore, #tpu.memory_space<semaphore_mem>>
    %dma_start3A_291 = arith.constant 0 : i32
    %dma_start3A_292 = tpu.memref_slice %arg4[%select_n3A, %add3A_279, %dma_start3A_291] : memref<4x4096x1024xf32, #tpu.memory_space<hbm>> -> memref<1x8x1024xf32, #tpu.memory_space<hbm>>
    %dma_start3A_293 = tpu.memref_squeeze %dma_start3A_292 : memref<1x8x1024xf32, #tpu.memory_space<hbm>> -> memref<8x1024xf32, #tpu.memory_space<hbm>>
    %dma_start3A_294 = arith.constant 0 : i32
    %dma_start3A_295 = arith.constant 0 : i32
    %dma_start3A_296 = tpu.memref_slice %arg6[%dma_start3A_280, %dma_start3A_294, %dma_start3A_295] : memref<8x8x1024xf32, #tpu.memory_space<vmem>> -> memref<1x8x1024xf32, #tpu.memory_space<vmem>>
    %dma_start3A_297 = tpu.memref_squeeze %dma_start3A_296 : memref<1x8x1024xf32, #tpu.memory_space<vmem>> -> memref<8x1024xf32, #tpu.memory_space<vmem>>
    tpu.enqueue_dma source(%dma_start3A_297 : memref<8x1024xf32, #tpu.memory_space<vmem>>) target(%dma_start3A_293 : memref<8x1024xf32, #tpu.memory_space<hbm>>) target_semaphore(%dma_start3A_290 : memref<!tpu.dma_semaphore, #tpu.memory_space<semaphore_mem>>)
    %add3A_298 = arith.constant 464 : i32
    %add3A_299 = arith.addi %mul3A_32, %add3A_298 : i32
    %dma_wait3A_300 = arith.constant 2 : i32
    %dma_wait3A_301 = arith.constant 2 : i32
    %dma_wait3A_302 = arith.constant 0 : i32
    %dma_wait3A_303 = arith.constant 0 : i32
    %dma_wait3A_304 = tpu.memref_slice %arg6[%dma_wait3A_300, %dma_wait3A_302, %dma_wait3A_303] : memref<8x8x1024xf32, #tpu.memory_space<vmem>> -> memref<1x8x1024xf32, #tpu.memory_space<vmem>>
    %dma_wait3A_305 = tpu.memref_squeeze %dma_wait3A_304 : memref<1x8x1024xf32, #tpu.memory_space<vmem>> -> memref<8x1024xf32, #tpu.memory_space<vmem>>
    %dma_wait3A_306 = arith.constant 0 : i32
    %dma_wait3A_307 = tpu.memref_slice %arg4[%select_n3A, %add3A_299, %dma_wait3A_306] : memref<4x4096x1024xf32, #tpu.memory_space<hbm>> -> memref<1x8x1024xf32, #tpu.memory_space<hbm>>
    %dma_wait3A_308 = tpu.memref_squeeze %dma_wait3A_307 : memref<1x8x1024xf32, #tpu.memory_space<hbm>> -> memref<8x1024xf32, #tpu.memory_space<hbm>>
    %dma_wait3A_309 = tpu.memref_slice %arg8[%dma_wait3A_301] : memref<8x!tpu.dma_semaphore, #tpu.memory_space<semaphore_mem>> -> memref<1x!tpu.dma_semaphore, #tpu.memory_space<semaphore_mem>>
    %dma_wait3A_310 = tpu.memref_squeeze %dma_wait3A_309 : memref<1x!tpu.dma_semaphore, #tpu.memory_space<semaphore_mem>> -> memref<!tpu.dma_semaphore, #tpu.memory_space<semaphore_mem>>
    %dma_wait3A_311 = arith.constant 0 : i32
    %dma_wait3A_312 = tpu.memref_slice %arg4[%select_n3A, %add3A_299, %dma_wait3A_311] : memref<4x4096x1024xf32, #tpu.memory_space<hbm>> -> memref<1x8x1024xf32, #tpu.memory_space<hbm>>
    %dma_wait3A_313 = tpu.memref_squeeze %dma_wait3A_312 : memref<1x8x1024xf32, #tpu.memory_space<hbm>> -> memref<8x1024xf32, #tpu.memory_space<hbm>>
    %dma_wait3A_314 = arith.constant 0 : i32
    %dma_wait3A_315 = arith.constant 0 : i32
    %dma_wait3A_316 = tpu.memref_slice %arg6[%dma_wait3A_300, %dma_wait3A_314, %dma_wait3A_315] : memref<8x8x1024xf32, #tpu.memory_space<vmem>> -> memref<1x8x1024xf32, #tpu.memory_space<vmem>>
    %dma_wait3A_317 = tpu.memref_squeeze %dma_wait3A_316 : memref<1x8x1024xf32, #tpu.memory_space<vmem>> -> memref<8x1024xf32, #tpu.memory_space<vmem>>
    tpu.wait_dma2 semaphore(%dma_wait3A_310 : memref<!tpu.dma_semaphore, #tpu.memory_space<semaphore_mem>>) src(%dma_wait3A_317 : memref<8x1024xf32, #tpu.memory_space<vmem>>) dst(%dma_wait3A_313 : memref<8x1024xf32, #tpu.memory_space<hbm>>)
    %dma_wait3A_318 = arith.constant 3 : i32
    %dma_wait3A_319 = arith.constant 3 : i32
    %dma_wait3A_320 = arith.constant 0 : i32
    %dma_wait3A_321 = arith.constant 0 : i32
    %dma_wait3A_322 = tpu.memref_slice %arg6[%dma_wait3A_318, %dma_wait3A_320, %dma_wait3A_321] : memref<8x8x1024xf32, #tpu.memory_space<vmem>> -> memref<1x8x1024xf32, #tpu.memory_space<vmem>>
    %dma_wait3A_323 = tpu.memref_squeeze %dma_wait3A_322 : memref<1x8x1024xf32, #tpu.memory_space<vmem>> -> memref<8x1024xf32, #tpu.memory_space<vmem>>
    %dma_wait3A_324 = arith.constant 472 : i32
    %dma_wait3A_325 = tpu.memref_slice %arg5[%dma_wait3A_324] : memref<512xi32, #tpu.memory_space<vmem>> -> memref<8xi32, #tpu.memory_space<vmem>>
    %dma_wait3A_326 = arith.constant 0 : i32
    %dma_wait3A_327 = arith.constant 0 : i32
    %dma_wait3A_328 = tpu.memref_slice %arg2[%dma_wait3A_326, %dma_wait3A_327] : memref<100000x1024xf32, #tpu.memory_space<hbm>> -> memref<100000x1024xf32, #tpu.memory_space<hbm>>
    %dma_wait3A_329 = tpu.memref_slice %arg7[%dma_wait3A_319] : memref<8x!tpu.dma_semaphore, #tpu.memory_space<semaphore_mem>> -> memref<1x!tpu.dma_semaphore, #tpu.memory_space<semaphore_mem>>
    %dma_wait3A_330 = tpu.memref_squeeze %dma_wait3A_329 : memref<1x!tpu.dma_semaphore, #tpu.memory_space<semaphore_mem>> -> memref<!tpu.dma_semaphore, #tpu.memory_space<semaphore_mem>>
    tpu.wait_indirect_dma semaphore(%dma_wait3A_330 : memref<!tpu.dma_semaphore, #tpu.memory_space<semaphore_mem>>) src(%dma_wait3A_328 : memref<100000x1024xf32, #tpu.memory_space<hbm>>) dst(%dma_wait3A_323 : memref<8x1024xf32, #tpu.memory_space<vmem>>)
    %add3A_331 = arith.constant 472 : i32
    %add3A_332 = arith.addi %mul3A_32, %add3A_331 : i32
    %dma_start3A_333 = arith.constant 3 : i32
    %dma_start3A_334 = arith.constant 3 : i32
    %dma_start3A_335 = arith.constant 0 : i32
    %dma_start3A_336 = arith.constant 0 : i32
    %dma_start3A_337 = tpu.memref_slice %arg6[%dma_start3A_333, %dma_start3A_335, %dma_start3A_336] : memref<8x8x1024xf32, #tpu.memory_space<vmem>> -> memref<1x8x1024xf32, #tpu.memory_space<vmem>>
    %dma_start3A_338 = tpu.memref_squeeze %dma_start3A_337 : memref<1x8x1024xf32, #tpu.memory_space<vmem>> -> memref<8x1024xf32, #tpu.memory_space<vmem>>
    %dma_start3A_339 = arith.constant 0 : i32
    %dma_start3A_340 = tpu.memref_slice %arg4[%select_n3A, %add3A_332, %dma_start3A_339] : memref<4x4096x1024xf32, #tpu.memory_space<hbm>> -> memref<1x8x1024xf32, #tpu.memory_space<hbm>>
    %dma_start3A_341 = tpu.memref_squeeze %dma_start3A_340 : memref<1x8x1024xf32, #tpu.memory_space<hbm>> -> memref<8x1024xf32, #tpu.memory_space<hbm>>
    %dma_start3A_342 = tpu.memref_slice %arg8[%dma_start3A_334] : memref<8x!tpu.dma_semaphore, #tpu.memory_space<semaphore_mem>> -> memref<1x!tpu.dma_semaphore, #tpu.memory_space<semaphore_mem>>
    %dma_start3A_343 = tpu.memref_squeeze %dma_start3A_342 : memref<1x!tpu.dma_semaphore, #tpu.memory_space<semaphore_mem>> -> memref<!tpu.dma_semaphore, #tpu.memory_space<semaphore_mem>>
    %dma_start3A_344 = arith.constant 0 : i32
    %dma_start3A_345 = tpu.memref_slice %arg4[%select_n3A, %add3A_332, %dma_start3A_344] : memref<4x4096x1024xf32, #tpu.memory_space<hbm>> -> memref<1x8x1024xf32, #tpu.memory_space<hbm>>
    %dma_start3A_346 = tpu.memref_squeeze %dma_start3A_345 : memref<1x8x1024xf32, #tpu.memory_space<hbm>> -> memref<8x1024xf32, #tpu.memory_space<hbm>>
    %dma_start3A_347 = arith.constant 0 : i32
    %dma_start3A_348 = arith.constant 0 : i32
    %dma_start3A_349 = tpu.memref_slice %arg6[%dma_start3A_333, %dma_start3A_347, %dma_start3A_348] : memref<8x8x1024xf32, #tpu.memory_space<vmem>> -> memref<1x8x1024xf32, #tpu.memory_space<vmem>>
    %dma_start3A_350 = tpu.memref_squeeze %dma_start3A_349 : memref<1x8x1024xf32, #tpu.memory_space<vmem>> -> memref<8x1024xf32, #tpu.memory_space<vmem>>
    tpu.enqueue_dma source(%dma_start3A_350 : memref<8x1024xf32, #tpu.memory_space<vmem>>) target(%dma_start3A_346 : memref<8x1024xf32, #tpu.memory_space<hbm>>) target_semaphore(%dma_start3A_343 : memref<!tpu.dma_semaphore, #tpu.memory_space<semaphore_mem>>)
    %add3A_351 = arith.constant 472 : i32
    %add3A_352 = arith.addi %mul3A_32, %add3A_351 : i32
    %dma_wait3A_353 = arith.constant 3 : i32
    %dma_wait3A_354 = arith.constant 3 : i32
    %dma_wait3A_355 = arith.constant 0 : i32
    %dma_wait3A_356 = arith.constant 0 : i32
    %dma_wait3A_357 = tpu.memref_slice %arg6[%dma_wait3A_353, %dma_wait3A_355, %dma_wait3A_356] : memref<8x8x1024xf32, #tpu.memory_space<vmem>> -> memref<1x8x1024xf32, #tpu.memory_space<vmem>>
    %dma_wait3A_358 = tpu.memref_squeeze %dma_wait3A_357 : memref<1x8x1024xf32, #tpu.memory_space<vmem>> -> memref<8x1024xf32, #tpu.memory_space<vmem>>
    %dma_wait3A_359 = arith.constant 0 : i32
    %dma_wait3A_360 = tpu.memref_slice %arg4[%select_n3A, %add3A_352, %dma_wait3A_359] : memref<4x4096x1024xf32, #tpu.memory_space<hbm>> -> memref<1x8x1024xf32, #tpu.memory_space<hbm>>
    %dma_wait3A_361 = tpu.memref_squeeze %dma_wait3A_360 : memref<1x8x1024xf32, #tpu.memory_space<hbm>> -> memref<8x1024xf32, #tpu.memory_space<hbm>>
    %dma_wait3A_362 = tpu.memref_slice %arg8[%dma_wait3A_354] : memref<8x!tpu.dma_semaphore, #tpu.memory_space<semaphore_mem>> -> memref<1x!tpu.dma_semaphore, #tpu.memory_space<semaphore_mem>>
    %dma_wait3A_363 = tpu.memref_squeeze %dma_wait3A_362 : memref<1x!tpu.dma_semaphore, #tpu.memory_space<semaphore_mem>> -> memref<!tpu.dma_semaphore, #tpu.memory_space<semaphore_mem>>
    %dma_wait3A_364 = arith.constant 0 : i32
    %dma_wait3A_365 = tpu.memref_slice %arg4[%select_n3A, %add3A_352, %dma_wait3A_364] : memref<4x4096x1024xf32, #tpu.memory_space<hbm>> -> memref<1x8x1024xf32, #tpu.memory_space<hbm>>
    %dma_wait3A_366 = tpu.memref_squeeze %dma_wait3A_365 : memref<1x8x1024xf32, #tpu.memory_space<hbm>> -> memref<8x1024xf32, #tpu.memory_space<hbm>>
    %dma_wait3A_367 = arith.constant 0 : i32
    %dma_wait3A_368 = arith.constant 0 : i32
    %dma_wait3A_369 = tpu.memref_slice %arg6[%dma_wait3A_353, %dma_wait3A_367, %dma_wait3A_368] : memref<8x8x1024xf32, #tpu.memory_space<vmem>> -> memref<1x8x1024xf32, #tpu.memory_space<vmem>>
    %dma_wait3A_370 = tpu.memref_squeeze %dma_wait3A_369 : memref<1x8x1024xf32, #tpu.memory_space<vmem>> -> memref<8x1024xf32, #tpu.memory_space<vmem>>
    tpu.wait_dma2 semaphore(%dma_wait3A_363 : memref<!tpu.dma_semaphore, #tpu.memory_space<semaphore_mem>>) src(%dma_wait3A_370 : memref<8x1024xf32, #tpu.memory_space<vmem>>) dst(%dma_wait3A_366 : memref<8x1024xf32, #tpu.memory_space<hbm>>)
    %dma_wait3A_371 = arith.constant 4 : i32
    %dma_wait3A_372 = arith.constant 4 : i32
    %dma_wait3A_373 = arith.constant 0 : i32
    %dma_wait3A_374 = arith.constant 0 : i32
    %dma_wait3A_375 = tpu.memref_slice %arg6[%dma_wait3A_371, %dma_wait3A_373, %dma_wait3A_374] : memref<8x8x1024xf32, #tpu.memory_space<vmem>> -> memref<1x8x1024xf32, #tpu.memory_space<vmem>>
    %dma_wait3A_376 = tpu.memref_squeeze %dma_wait3A_375 : memref<1x8x1024xf32, #tpu.memory_space<vmem>> -> memref<8x1024xf32, #tpu.memory_space<vmem>>
    %dma_wait3A_377 = arith.constant 480 : i32
    %dma_wait3A_378 = tpu.memref_slice %arg5[%dma_wait3A_377] : memref<512xi32, #tpu.memory_space<vmem>> -> memref<8xi32, #tpu.memory_space<vmem>>
    %dma_wait3A_379 = arith.constant 0 : i32
    %dma_wait3A_380 = arith.constant 0 : i32
    %dma_wait3A_381 = tpu.memref_slice %arg2[%dma_wait3A_379, %dma_wait3A_380] : memref<100000x1024xf32, #tpu.memory_space<hbm>> -> memref<100000x1024xf32, #tpu.memory_space<hbm>>
    %dma_wait3A_382 = tpu.memref_slice %arg7[%dma_wait3A_372] : memref<8x!tpu.dma_semaphore, #tpu.memory_space<semaphore_mem>> -> memref<1x!tpu.dma_semaphore, #tpu.memory_space<semaphore_mem>>
    %dma_wait3A_383 = tpu.memref_squeeze %dma_wait3A_382 : memref<1x!tpu.dma_semaphore, #tpu.memory_space<semaphore_mem>> -> memref<!tpu.dma_semaphore, #tpu.memory_space<semaphore_mem>>
    tpu.wait_indirect_dma semaphore(%dma_wait3A_383 : memref<!tpu.dma_semaphore, #tpu.memory_space<semaphore_mem>>) src(%dma_wait3A_381 : memref<100000x1024xf32, #tpu.memory_space<hbm>>) dst(%dma_wait3A_376 : memref<8x1024xf32, #tpu.memory_space<vmem>>)
    %add3A_384 = arith.constant 480 : i32
    %add3A_385 = arith.addi %mul3A_32, %add3A_384 : i32
    %dma_start3A_386 = arith.constant 4 : i32
    %dma_start3A_387 = arith.constant 4 : i32
    %dma_start3A_388 = arith.constant 0 : i32
    %dma_start3A_389 = arith.constant 0 : i32
    %dma_start3A_390 = tpu.memref_slice %arg6[%dma_start3A_386, %dma_start3A_388, %dma_start3A_389] : memref<8x8x1024xf32, #tpu.memory_space<vmem>> -> memref<1x8x1024xf32, #tpu.memory_space<vmem>>
    %dma_start3A_391 = tpu.memref_squeeze %dma_start3A_390 : memref<1x8x1024xf32, #tpu.memory_space<vmem>> -> memref<8x1024xf32, #tpu.memory_space<vmem>>
    %dma_start3A_392 = arith.constant 0 : i32
    %dma_start3A_393 = tpu.memref_slice %arg4[%select_n3A, %add3A_385, %dma_start3A_392] : memref<4x4096x1024xf32, #tpu.memory_space<hbm>> -> memref<1x8x1024xf32, #tpu.memory_space<hbm>>
    %dma_start3A_394 = tpu.memref_squeeze %dma_start3A_393 : memref<1x8x1024xf32, #tpu.memory_space<hbm>> -> memref<8x1024xf32, #tpu.memory_space<hbm>>
    %dma_start3A_395 = tpu.memref_slice %arg8[%dma_start3A_387] : memref<8x!tpu.dma_semaphore, #tpu.memory_space<semaphore_mem>> -> memref<1x!tpu.dma_semaphore, #tpu.memory_space<semaphore_mem>>
    %dma_start3A_396 = tpu.memref_squeeze %dma_start3A_395 : memref<1x!tpu.dma_semaphore, #tpu.memory_space<semaphore_mem>> -> memref<!tpu.dma_semaphore, #tpu.memory_space<semaphore_mem>>
    %dma_start3A_397 = arith.constant 0 : i32
    %dma_start3A_398 = tpu.memref_slice %arg4[%select_n3A, %add3A_385, %dma_start3A_397] : memref<4x4096x1024xf32, #tpu.memory_space<hbm>> -> memref<1x8x1024xf32, #tpu.memory_space<hbm>>
    %dma_start3A_399 = tpu.memref_squeeze %dma_start3A_398 : memref<1x8x1024xf32, #tpu.memory_space<hbm>> -> memref<8x1024xf32, #tpu.memory_space<hbm>>
    %dma_start3A_400 = arith.constant 0 : i32
    %dma_start3A_401 = arith.constant 0 : i32
    %dma_start3A_402 = tpu.memref_slice %arg6[%dma_start3A_386, %dma_start3A_400, %dma_start3A_401] : memref<8x8x1024xf32, #tpu.memory_space<vmem>> -> memref<1x8x1024xf32, #tpu.memory_space<vmem>>
    %dma_start3A_403 = tpu.memref_squeeze %dma_start3A_402 : memref<1x8x1024xf32, #tpu.memory_space<vmem>> -> memref<8x1024xf32, #tpu.memory_space<vmem>>
    tpu.enqueue_dma source(%dma_start3A_403 : memref<8x1024xf32, #tpu.memory_space<vmem>>) target(%dma_start3A_399 : memref<8x1024xf32, #tpu.memory_space<hbm>>) target_semaphore(%dma_start3A_396 : memref<!tpu.dma_semaphore, #tpu.memory_space<semaphore_mem>>)
    %add3A_404 = arith.constant 480 : i32
    %add3A_405 = arith.addi %mul3A_32, %add3A_404 : i32
    %dma_wait3A_406 = arith.constant 4 : i32
    %dma_wait3A_407 = arith.constant 4 : i32
    %dma_wait3A_408 = arith.constant 0 : i32
    %dma_wait3A_409 = arith.constant 0 : i32
    %dma_wait3A_410 = tpu.memref_slice %arg6[%dma_wait3A_406, %dma_wait3A_408, %dma_wait3A_409] : memref<8x8x1024xf32, #tpu.memory_space<vmem>> -> memref<1x8x1024xf32, #tpu.memory_space<vmem>>
    %dma_wait3A_411 = tpu.memref_squeeze %dma_wait3A_410 : memref<1x8x1024xf32, #tpu.memory_space<vmem>> -> memref<8x1024xf32, #tpu.memory_space<vmem>>
    %dma_wait3A_412 = arith.constant 0 : i32
    %dma_wait3A_413 = tpu.memref_slice %arg4[%select_n3A, %add3A_405, %dma_wait3A_412] : memref<4x4096x1024xf32, #tpu.memory_space<hbm>> -> memref<1x8x1024xf32, #tpu.memory_space<hbm>>
    %dma_wait3A_414 = tpu.memref_squeeze %dma_wait3A_413 : memref<1x8x1024xf32, #tpu.memory_space<hbm>> -> memref<8x1024xf32, #tpu.memory_space<hbm>>
    %dma_wait3A_415 = tpu.memref_slice %arg8[%dma_wait3A_407] : memref<8x!tpu.dma_semaphore, #tpu.memory_space<semaphore_mem>> -> memref<1x!tpu.dma_semaphore, #tpu.memory_space<semaphore_mem>>
    %dma_wait3A_416 = tpu.memref_squeeze %dma_wait3A_415 : memref<1x!tpu.dma_semaphore, #tpu.memory_space<semaphore_mem>> -> memref<!tpu.dma_semaphore, #tpu.memory_space<semaphore_mem>>
    %dma_wait3A_417 = arith.constant 0 : i32
    %dma_wait3A_418 = tpu.memref_slice %arg4[%select_n3A, %add3A_405, %dma_wait3A_417] : memref<4x4096x1024xf32, #tpu.memory_space<hbm>> -> memref<1x8x1024xf32, #tpu.memory_space<hbm>>
    %dma_wait3A_419 = tpu.memref_squeeze %dma_wait3A_418 : memref<1x8x1024xf32, #tpu.memory_space<hbm>> -> memref<8x1024xf32, #tpu.memory_space<hbm>>
    %dma_wait3A_420 = arith.constant 0 : i32
    %dma_wait3A_421 = arith.constant 0 : i32
    %dma_wait3A_422 = tpu.memref_slice %arg6[%dma_wait3A_406, %dma_wait3A_420, %dma_wait3A_421] : memref<8x8x1024xf32, #tpu.memory_space<vmem>> -> memref<1x8x1024xf32, #tpu.memory_space<vmem>>
    %dma_wait3A_423 = tpu.memref_squeeze %dma_wait3A_422 : memref<1x8x1024xf32, #tpu.memory_space<vmem>> -> memref<8x1024xf32, #tpu.memory_space<vmem>>
    tpu.wait_dma2 semaphore(%dma_wait3A_416 : memref<!tpu.dma_semaphore, #tpu.memory_space<semaphore_mem>>) src(%dma_wait3A_423 : memref<8x1024xf32, #tpu.memory_space<vmem>>) dst(%dma_wait3A_419 : memref<8x1024xf32, #tpu.memory_space<hbm>>)
    %dma_wait3A_424 = arith.constant 5 : i32
    %dma_wait3A_425 = arith.constant 5 : i32
    %dma_wait3A_426 = arith.constant 0 : i32
    %dma_wait3A_427 = arith.constant 0 : i32
    %dma_wait3A_428 = tpu.memref_slice %arg6[%dma_wait3A_424, %dma_wait3A_426, %dma_wait3A_427] : memref<8x8x1024xf32, #tpu.memory_space<vmem>> -> memref<1x8x1024xf32, #tpu.memory_space<vmem>>
    %dma_wait3A_429 = tpu.memref_squeeze %dma_wait3A_428 : memref<1x8x1024xf32, #tpu.memory_space<vmem>> -> memref<8x1024xf32, #tpu.memory_space<vmem>>
    %dma_wait3A_430 = arith.constant 488 : i32
    %dma_wait3A_431 = tpu.memref_slice %arg5[%dma_wait3A_430] : memref<512xi32, #tpu.memory_space<vmem>> -> memref<8xi32, #tpu.memory_space<vmem>>
    %dma_wait3A_432 = arith.constant 0 : i32
    %dma_wait3A_433 = arith.constant 0 : i32
    %dma_wait3A_434 = tpu.memref_slice %arg2[%dma_wait3A_432, %dma_wait3A_433] : memref<100000x1024xf32, #tpu.memory_space<hbm>> -> memref<100000x1024xf32, #tpu.memory_space<hbm>>
    %dma_wait3A_435 = tpu.memref_slice %arg7[%dma_wait3A_425] : memref<8x!tpu.dma_semaphore, #tpu.memory_space<semaphore_mem>> -> memref<1x!tpu.dma_semaphore, #tpu.memory_space<semaphore_mem>>
    %dma_wait3A_436 = tpu.memref_squeeze %dma_wait3A_435 : memref<1x!tpu.dma_semaphore, #tpu.memory_space<semaphore_mem>> -> memref<!tpu.dma_semaphore, #tpu.memory_space<semaphore_mem>>
    tpu.wait_indirect_dma semaphore(%dma_wait3A_436 : memref<!tpu.dma_semaphore, #tpu.memory_space<semaphore_mem>>) src(%dma_wait3A_434 : memref<100000x1024xf32, #tpu.memory_space<hbm>>) dst(%dma_wait3A_429 : memref<8x1024xf32, #tpu.memory_space<vmem>>)
    %add3A_437 = arith.constant 488 : i32
    %add3A_438 = arith.addi %mul3A_32, %add3A_437 : i32
    %dma_start3A_439 = arith.constant 5 : i32
    %dma_start3A_440 = arith.constant 5 : i32
    %dma_start3A_441 = arith.constant 0 : i32
    %dma_start3A_442 = arith.constant 0 : i32
    %dma_start3A_443 = tpu.memref_slice %arg6[%dma_start3A_439, %dma_start3A_441, %dma_start3A_442] : memref<8x8x1024xf32, #tpu.memory_space<vmem>> -> memref<1x8x1024xf32, #tpu.memory_space<vmem>>
    %dma_start3A_444 = tpu.memref_squeeze %dma_start3A_443 : memref<1x8x1024xf32, #tpu.memory_space<vmem>> -> memref<8x1024xf32, #tpu.memory_space<vmem>>
    %dma_start3A_445 = arith.constant 0 : i32
    %dma_start3A_446 = tpu.memref_slice %arg4[%select_n3A, %add3A_438, %dma_start3A_445] : memref<4x4096x1024xf32, #tpu.memory_space<hbm>> -> memref<1x8x1024xf32, #tpu.memory_space<hbm>>
    %dma_start3A_447 = tpu.memref_squeeze %dma_start3A_446 : memref<1x8x1024xf32, #tpu.memory_space<hbm>> -> memref<8x1024xf32, #tpu.memory_space<hbm>>
    %dma_start3A_448 = tpu.memref_slice %arg8[%dma_start3A_440] : memref<8x!tpu.dma_semaphore, #tpu.memory_space<semaphore_mem>> -> memref<1x!tpu.dma_semaphore, #tpu.memory_space<semaphore_mem>>
    %dma_start3A_449 = tpu.memref_squeeze %dma_start3A_448 : memref<1x!tpu.dma_semaphore, #tpu.memory_space<semaphore_mem>> -> memref<!tpu.dma_semaphore, #tpu.memory_space<semaphore_mem>>
    %dma_start3A_450 = arith.constant 0 : i32
    %dma_start3A_451 = tpu.memref_slice %arg4[%select_n3A, %add3A_438, %dma_start3A_450] : memref<4x4096x1024xf32, #tpu.memory_space<hbm>> -> memref<1x8x1024xf32, #tpu.memory_space<hbm>>
    %dma_start3A_452 = tpu.memref_squeeze %dma_start3A_451 : memref<1x8x1024xf32, #tpu.memory_space<hbm>> -> memref<8x1024xf32, #tpu.memory_space<hbm>>
    %dma_start3A_453 = arith.constant 0 : i32
    %dma_start3A_454 = arith.constant 0 : i32
    %dma_start3A_455 = tpu.memref_slice %arg6[%dma_start3A_439, %dma_start3A_453, %dma_start3A_454] : memref<8x8x1024xf32, #tpu.memory_space<vmem>> -> memref<1x8x1024xf32, #tpu.memory_space<vmem>>
    %dma_start3A_456 = tpu.memref_squeeze %dma_start3A_455 : memref<1x8x1024xf32, #tpu.memory_space<vmem>> -> memref<8x1024xf32, #tpu.memory_space<vmem>>
    tpu.enqueue_dma source(%dma_start3A_456 : memref<8x1024xf32, #tpu.memory_space<vmem>>) target(%dma_start3A_452 : memref<8x1024xf32, #tpu.memory_space<hbm>>) target_semaphore(%dma_start3A_449 : memref<!tpu.dma_semaphore, #tpu.memory_space<semaphore_mem>>)
    %add3A_457 = arith.constant 488 : i32
    %add3A_458 = arith.addi %mul3A_32, %add3A_457 : i32
    %dma_wait3A_459 = arith.constant 5 : i32
    %dma_wait3A_460 = arith.constant 5 : i32
    %dma_wait3A_461 = arith.constant 0 : i32
    %dma_wait3A_462 = arith.constant 0 : i32
    %dma_wait3A_463 = tpu.memref_slice %arg6[%dma_wait3A_459, %dma_wait3A_461, %dma_wait3A_462] : memref<8x8x1024xf32, #tpu.memory_space<vmem>> -> memref<1x8x1024xf32, #tpu.memory_space<vmem>>
    %dma_wait3A_464 = tpu.memref_squeeze %dma_wait3A_463 : memref<1x8x1024xf32, #tpu.memory_space<vmem>> -> memref<8x1024xf32, #tpu.memory_space<vmem>>
    %dma_wait3A_465 = arith.constant 0 : i32
    %dma_wait3A_466 = tpu.memref_slice %arg4[%select_n3A, %add3A_458, %dma_wait3A_465] : memref<4x4096x1024xf32, #tpu.memory_space<hbm>> -> memref<1x8x1024xf32, #tpu.memory_space<hbm>>
    %dma_wait3A_467 = tpu.memref_squeeze %dma_wait3A_466 : memref<1x8x1024xf32, #tpu.memory_space<hbm>> -> memref<8x1024xf32, #tpu.memory_space<hbm>>
    %dma_wait3A_468 = tpu.memref_slice %arg8[%dma_wait3A_460] : memref<8x!tpu.dma_semaphore, #tpu.memory_space<semaphore_mem>> -> memref<1x!tpu.dma_semaphore, #tpu.memory_space<semaphore_mem>>
    %dma_wait3A_469 = tpu.memref_squeeze %dma_wait3A_468 : memref<1x!tpu.dma_semaphore, #tpu.memory_space<semaphore_mem>> -> memref<!tpu.dma_semaphore, #tpu.memory_space<semaphore_mem>>
    %dma_wait3A_470 = arith.constant 0 : i32
    %dma_wait3A_471 = tpu.memref_slice %arg4[%select_n3A, %add3A_458, %dma_wait3A_470] : memref<4x4096x1024xf32, #tpu.memory_space<hbm>> -> memref<1x8x1024xf32, #tpu.memory_space<hbm>>
    %dma_wait3A_472 = tpu.memref_squeeze %dma_wait3A_471 : memref<1x8x1024xf32, #tpu.memory_space<hbm>> -> memref<8x1024xf32, #tpu.memory_space<hbm>>
    %dma_wait3A_473 = arith.constant 0 : i32
    %dma_wait3A_474 = arith.constant 0 : i32
    %dma_wait3A_475 = tpu.memref_slice %arg6[%dma_wait3A_459, %dma_wait3A_473, %dma_wait3A_474] : memref<8x8x1024xf32, #tpu.memory_space<vmem>> -> memref<1x8x1024xf32, #tpu.memory_space<vmem>>
    %dma_wait3A_476 = tpu.memref_squeeze %dma_wait3A_475 : memref<1x8x1024xf32, #tpu.memory_space<vmem>> -> memref<8x1024xf32, #tpu.memory_space<vmem>>
    tpu.wait_dma2 semaphore(%dma_wait3A_469 : memref<!tpu.dma_semaphore, #tpu.memory_space<semaphore_mem>>) src(%dma_wait3A_476 : memref<8x1024xf32, #tpu.memory_space<vmem>>) dst(%dma_wait3A_472 : memref<8x1024xf32, #tpu.memory_space<hbm>>)
    %dma_wait3A_477 = arith.constant 6 : i32
    %dma_wait3A_478 = arith.constant 6 : i32
    %dma_wait3A_479 = arith.constant 0 : i32
    %dma_wait3A_480 = arith.constant 0 : i32
    %dma_wait3A_481 = tpu.memref_slice %arg6[%dma_wait3A_477, %dma_wait3A_479, %dma_wait3A_480] : memref<8x8x1024xf32, #tpu.memory_space<vmem>> -> memref<1x8x1024xf32, #tpu.memory_space<vmem>>
    %dma_wait3A_482 = tpu.memref_squeeze %dma_wait3A_481 : memref<1x8x1024xf32, #tpu.memory_space<vmem>> -> memref<8x1024xf32, #tpu.memory_space<vmem>>
    %dma_wait3A_483 = arith.constant 496 : i32
    %dma_wait3A_484 = tpu.memref_slice %arg5[%dma_wait3A_483] : memref<512xi32, #tpu.memory_space<vmem>> -> memref<8xi32, #tpu.memory_space<vmem>>
    %dma_wait3A_485 = arith.constant 0 : i32
    %dma_wait3A_486 = arith.constant 0 : i32
    %dma_wait3A_487 = tpu.memref_slice %arg2[%dma_wait3A_485, %dma_wait3A_486] : memref<100000x1024xf32, #tpu.memory_space<hbm>> -> memref<100000x1024xf32, #tpu.memory_space<hbm>>
    %dma_wait3A_488 = tpu.memref_slice %arg7[%dma_wait3A_478] : memref<8x!tpu.dma_semaphore, #tpu.memory_space<semaphore_mem>> -> memref<1x!tpu.dma_semaphore, #tpu.memory_space<semaphore_mem>>
    %dma_wait3A_489 = tpu.memref_squeeze %dma_wait3A_488 : memref<1x!tpu.dma_semaphore, #tpu.memory_space<semaphore_mem>> -> memref<!tpu.dma_semaphore, #tpu.memory_space<semaphore_mem>>
    tpu.wait_indirect_dma semaphore(%dma_wait3A_489 : memref<!tpu.dma_semaphore, #tpu.memory_space<semaphore_mem>>) src(%dma_wait3A_487 : memref<100000x1024xf32, #tpu.memory_space<hbm>>) dst(%dma_wait3A_482 : memref<8x1024xf32, #tpu.memory_space<vmem>>)
    %add3A_490 = arith.constant 496 : i32
    %add3A_491 = arith.addi %mul3A_32, %add3A_490 : i32
    %dma_start3A_492 = arith.constant 6 : i32
    %dma_start3A_493 = arith.constant 6 : i32
    %dma_start3A_494 = arith.constant 0 : i32
    %dma_start3A_495 = arith.constant 0 : i32
    %dma_start3A_496 = tpu.memref_slice %arg6[%dma_start3A_492, %dma_start3A_494, %dma_start3A_495] : memref<8x8x1024xf32, #tpu.memory_space<vmem>> -> memref<1x8x1024xf32, #tpu.memory_space<vmem>>
    %dma_start3A_497 = tpu.memref_squeeze %dma_start3A_496 : memref<1x8x1024xf32, #tpu.memory_space<vmem>> -> memref<8x1024xf32, #tpu.memory_space<vmem>>
    %dma_start3A_498 = arith.constant 0 : i32
    %dma_start3A_499 = tpu.memref_slice %arg4[%select_n3A, %add3A_491, %dma_start3A_498] : memref<4x4096x1024xf32, #tpu.memory_space<hbm>> -> memref<1x8x1024xf32, #tpu.memory_space<hbm>>
    %dma_start3A_500 = tpu.memref_squeeze %dma_start3A_499 : memref<1x8x1024xf32, #tpu.memory_space<hbm>> -> memref<8x1024xf32, #tpu.memory_space<hbm>>
    %dma_start3A_501 = tpu.memref_slice %arg8[%dma_start3A_493] : memref<8x!tpu.dma_semaphore, #tpu.memory_space<semaphore_mem>> -> memref<1x!tpu.dma_semaphore, #tpu.memory_space<semaphore_mem>>
    %dma_start3A_502 = tpu.memref_squeeze %dma_start3A_501 : memref<1x!tpu.dma_semaphore, #tpu.memory_space<semaphore_mem>> -> memref<!tpu.dma_semaphore, #tpu.memory_space<semaphore_mem>>
    %dma_start3A_503 = arith.constant 0 : i32
    %dma_start3A_504 = tpu.memref_slice %arg4[%select_n3A, %add3A_491, %dma_start3A_503] : memref<4x4096x1024xf32, #tpu.memory_space<hbm>> -> memref<1x8x1024xf32, #tpu.memory_space<hbm>>
    %dma_start3A_505 = tpu.memref_squeeze %dma_start3A_504 : memref<1x8x1024xf32, #tpu.memory_space<hbm>> -> memref<8x1024xf32, #tpu.memory_space<hbm>>
    %dma_start3A_506 = arith.constant 0 : i32
    %dma_start3A_507 = arith.constant 0 : i32
    %dma_start3A_508 = tpu.memref_slice %arg6[%dma_start3A_492, %dma_start3A_506, %dma_start3A_507] : memref<8x8x1024xf32, #tpu.memory_space<vmem>> -> memref<1x8x1024xf32, #tpu.memory_space<vmem>>
    %dma_start3A_509 = tpu.memref_squeeze %dma_start3A_508 : memref<1x8x1024xf32, #tpu.memory_space<vmem>> -> memref<8x1024xf32, #tpu.memory_space<vmem>>
    tpu.enqueue_dma source(%dma_start3A_509 : memref<8x1024xf32, #tpu.memory_space<vmem>>) target(%dma_start3A_505 : memref<8x1024xf32, #tpu.memory_space<hbm>>) target_semaphore(%dma_start3A_502 : memref<!tpu.dma_semaphore, #tpu.memory_space<semaphore_mem>>)
    %add3A_510 = arith.constant 496 : i32
    %add3A_511 = arith.addi %mul3A_32, %add3A_510 : i32
    %dma_wait3A_512 = arith.constant 6 : i32
    %dma_wait3A_513 = arith.constant 6 : i32
    %dma_wait3A_514 = arith.constant 0 : i32
    %dma_wait3A_515 = arith.constant 0 : i32
    %dma_wait3A_516 = tpu.memref_slice %arg6[%dma_wait3A_512, %dma_wait3A_514, %dma_wait3A_515] : memref<8x8x1024xf32, #tpu.memory_space<vmem>> -> memref<1x8x1024xf32, #tpu.memory_space<vmem>>
    %dma_wait3A_517 = tpu.memref_squeeze %dma_wait3A_516 : memref<1x8x1024xf32, #tpu.memory_space<vmem>> -> memref<8x1024xf32, #tpu.memory_space<vmem>>
    %dma_wait3A_518 = arith.constant 0 : i32
    %dma_wait3A_519 = tpu.memref_slice %arg4[%select_n3A, %add3A_511, %dma_wait3A_518] : memref<4x4096x1024xf32, #tpu.memory_space<hbm>> -> memref<1x8x1024xf32, #tpu.memory_space<hbm>>
    %dma_wait3A_520 = tpu.memref_squeeze %dma_wait3A_519 : memref<1x8x1024xf32, #tpu.memory_space<hbm>> -> memref<8x1024xf32, #tpu.memory_space<hbm>>
    %dma_wait3A_521 = tpu.memref_slice %arg8[%dma_wait3A_513] : memref<8x!tpu.dma_semaphore, #tpu.memory_space<semaphore_mem>> -> memref<1x!tpu.dma_semaphore, #tpu.memory_space<semaphore_mem>>
    %dma_wait3A_522 = tpu.memref_squeeze %dma_wait3A_521 : memref<1x!tpu.dma_semaphore, #tpu.memory_space<semaphore_mem>> -> memref<!tpu.dma_semaphore, #tpu.memory_space<semaphore_mem>>
    %dma_wait3A_523 = arith.constant 0 : i32
    %dma_wait3A_524 = tpu.memref_slice %arg4[%select_n3A, %add3A_511, %dma_wait3A_523] : memref<4x4096x1024xf32, #tpu.memory_space<hbm>> -> memref<1x8x1024xf32, #tpu.memory_space<hbm>>
    %dma_wait3A_525 = tpu.memref_squeeze %dma_wait3A_524 : memref<1x8x1024xf32, #tpu.memory_space<hbm>> -> memref<8x1024xf32, #tpu.memory_space<hbm>>
    %dma_wait3A_526 = arith.constant 0 : i32
    %dma_wait3A_527 = arith.constant 0 : i32
    %dma_wait3A_528 = tpu.memref_slice %arg6[%dma_wait3A_512, %dma_wait3A_526, %dma_wait3A_527] : memref<8x8x1024xf32, #tpu.memory_space<vmem>> -> memref<1x8x1024xf32, #tpu.memory_space<vmem>>
    %dma_wait3A_529 = tpu.memref_squeeze %dma_wait3A_528 : memref<1x8x1024xf32, #tpu.memory_space<vmem>> -> memref<8x1024xf32, #tpu.memory_space<vmem>>
    tpu.wait_dma2 semaphore(%dma_wait3A_522 : memref<!tpu.dma_semaphore, #tpu.memory_space<semaphore_mem>>) src(%dma_wait3A_529 : memref<8x1024xf32, #tpu.memory_space<vmem>>) dst(%dma_wait3A_525 : memref<8x1024xf32, #tpu.memory_space<hbm>>)
    %dma_wait3A_530 = arith.constant 7 : i32
    %dma_wait3A_531 = arith.constant 7 : i32
    %dma_wait3A_532 = arith.constant 0 : i32
    %dma_wait3A_533 = arith.constant 0 : i32
    %dma_wait3A_534 = tpu.memref_slice %arg6[%dma_wait3A_530, %dma_wait3A_532, %dma_wait3A_533] : memref<8x8x1024xf32, #tpu.memory_space<vmem>> -> memref<1x8x1024xf32, #tpu.memory_space<vmem>>
    %dma_wait3A_535 = tpu.memref_squeeze %dma_wait3A_534 : memref<1x8x1024xf32, #tpu.memory_space<vmem>> -> memref<8x1024xf32, #tpu.memory_space<vmem>>
    %dma_wait3A_536 = arith.constant 504 : i32
    %dma_wait3A_537 = tpu.memref_slice %arg5[%dma_wait3A_536] : memref<512xi32, #tpu.memory_space<vmem>> -> memref<8xi32, #tpu.memory_space<vmem>>
    %dma_wait3A_538 = arith.constant 0 : i32
    %dma_wait3A_539 = arith.constant 0 : i32
    %dma_wait3A_540 = tpu.memref_slice %arg2[%dma_wait3A_538, %dma_wait3A_539] : memref<100000x1024xf32, #tpu.memory_space<hbm>> -> memref<100000x1024xf32, #tpu.memory_space<hbm>>
    %dma_wait3A_541 = tpu.memref_slice %arg7[%dma_wait3A_531] : memref<8x!tpu.dma_semaphore, #tpu.memory_space<semaphore_mem>> -> memref<1x!tpu.dma_semaphore, #tpu.memory_space<semaphore_mem>>
    %dma_wait3A_542 = tpu.memref_squeeze %dma_wait3A_541 : memref<1x!tpu.dma_semaphore, #tpu.memory_space<semaphore_mem>> -> memref<!tpu.dma_semaphore, #tpu.memory_space<semaphore_mem>>
    tpu.wait_indirect_dma semaphore(%dma_wait3A_542 : memref<!tpu.dma_semaphore, #tpu.memory_space<semaphore_mem>>) src(%dma_wait3A_540 : memref<100000x1024xf32, #tpu.memory_space<hbm>>) dst(%dma_wait3A_535 : memref<8x1024xf32, #tpu.memory_space<vmem>>)
    %add3A_543 = arith.constant 504 : i32
    %add3A_544 = arith.addi %mul3A_32, %add3A_543 : i32
    %dma_start3A_545 = arith.constant 7 : i32
    %dma_start3A_546 = arith.constant 7 : i32
    %dma_start3A_547 = arith.constant 0 : i32
    %dma_start3A_548 = arith.constant 0 : i32
    %dma_start3A_549 = tpu.memref_slice %arg6[%dma_start3A_545, %dma_start3A_547, %dma_start3A_548] : memref<8x8x1024xf32, #tpu.memory_space<vmem>> -> memref<1x8x1024xf32, #tpu.memory_space<vmem>>
    %dma_start3A_550 = tpu.memref_squeeze %dma_start3A_549 : memref<1x8x1024xf32, #tpu.memory_space<vmem>> -> memref<8x1024xf32, #tpu.memory_space<vmem>>
    %dma_start3A_551 = arith.constant 0 : i32
    %dma_start3A_552 = tpu.memref_slice %arg4[%select_n3A, %add3A_544, %dma_start3A_551] : memref<4x4096x1024xf32, #tpu.memory_space<hbm>> -> memref<1x8x1024xf32, #tpu.memory_space<hbm>>
    %dma_start3A_553 = tpu.memref_squeeze %dma_start3A_552 : memref<1x8x1024xf32, #tpu.memory_space<hbm>> -> memref<8x1024xf32, #tpu.memory_space<hbm>>
    %dma_start3A_554 = tpu.memref_slice %arg8[%dma_start3A_546] : memref<8x!tpu.dma_semaphore, #tpu.memory_space<semaphore_mem>> -> memref<1x!tpu.dma_semaphore, #tpu.memory_space<semaphore_mem>>
    %dma_start3A_555 = tpu.memref_squeeze %dma_start3A_554 : memref<1x!tpu.dma_semaphore, #tpu.memory_space<semaphore_mem>> -> memref<!tpu.dma_semaphore, #tpu.memory_space<semaphore_mem>>
    %dma_start3A_556 = arith.constant 0 : i32
    %dma_start3A_557 = tpu.memref_slice %arg4[%select_n3A, %add3A_544, %dma_start3A_556] : memref<4x4096x1024xf32, #tpu.memory_space<hbm>> -> memref<1x8x1024xf32, #tpu.memory_space<hbm>>
    %dma_start3A_558 = tpu.memref_squeeze %dma_start3A_557 : memref<1x8x1024xf32, #tpu.memory_space<hbm>> -> memref<8x1024xf32, #tpu.memory_space<hbm>>
    %dma_start3A_559 = arith.constant 0 : i32
    %dma_start3A_560 = arith.constant 0 : i32
    %dma_start3A_561 = tpu.memref_slice %arg6[%dma_start3A_545, %dma_start3A_559, %dma_start3A_560] : memref<8x8x1024xf32, #tpu.memory_space<vmem>> -> memref<1x8x1024xf32, #tpu.memory_space<vmem>>
    %dma_start3A_562 = tpu.memref_squeeze %dma_start3A_561 : memref<1x8x1024xf32, #tpu.memory_space<vmem>> -> memref<8x1024xf32, #tpu.memory_space<vmem>>
    tpu.enqueue_dma source(%dma_start3A_562 : memref<8x1024xf32, #tpu.memory_space<vmem>>) target(%dma_start3A_558 : memref<8x1024xf32, #tpu.memory_space<hbm>>) target_semaphore(%dma_start3A_555 : memref<!tpu.dma_semaphore, #tpu.memory_space<semaphore_mem>>)
    %add3A_563 = arith.constant 504 : i32
    %add3A_564 = arith.addi %mul3A_32, %add3A_563 : i32
    %dma_wait3A_565 = arith.constant 7 : i32
    %dma_wait3A_566 = arith.constant 7 : i32
    %dma_wait3A_567 = arith.constant 0 : i32
    %dma_wait3A_568 = arith.constant 0 : i32
    %dma_wait3A_569 = tpu.memref_slice %arg6[%dma_wait3A_565, %dma_wait3A_567, %dma_wait3A_568] : memref<8x8x1024xf32, #tpu.memory_space<vmem>> -> memref<1x8x1024xf32, #tpu.memory_space<vmem>>
    %dma_wait3A_570 = tpu.memref_squeeze %dma_wait3A_569 : memref<1x8x1024xf32, #tpu.memory_space<vmem>> -> memref<8x1024xf32, #tpu.memory_space<vmem>>
    %dma_wait3A_571 = arith.constant 0 : i32
    %dma_wait3A_572 = tpu.memref_slice %arg4[%select_n3A, %add3A_564, %dma_wait3A_571] : memref<4x4096x1024xf32, #tpu.memory_space<hbm>> -> memref<1x8x1024xf32, #tpu.memory_space<hbm>>
    %dma_wait3A_573 = tpu.memref_squeeze %dma_wait3A_572 : memref<1x8x1024xf32, #tpu.memory_space<hbm>> -> memref<8x1024xf32, #tpu.memory_space<hbm>>
    %dma_wait3A_574 = tpu.memref_slice %arg8[%dma_wait3A_566] : memref<8x!tpu.dma_semaphore, #tpu.memory_space<semaphore_mem>> -> memref<1x!tpu.dma_semaphore, #tpu.memory_space<semaphore_mem>>
    %dma_wait3A_575 = tpu.memref_squeeze %dma_wait3A_574 : memref<1x!tpu.dma_semaphore, #tpu.memory_space<semaphore_mem>> -> memref<!tpu.dma_semaphore, #tpu.memory_space<semaphore_mem>>
    %dma_wait3A_576 = arith.constant 0 : i32
    %dma_wait3A_577 = tpu.memref_slice %arg4[%select_n3A, %add3A_564, %dma_wait3A_576] : memref<4x4096x1024xf32, #tpu.memory_space<hbm>> -> memref<1x8x1024xf32, #tpu.memory_space<hbm>>
    %dma_wait3A_578 = tpu.memref_squeeze %dma_wait3A_577 : memref<1x8x1024xf32, #tpu.memory_space<hbm>> -> memref<8x1024xf32, #tpu.memory_space<hbm>>
    %dma_wait3A_579 = arith.constant 0 : i32
    %dma_wait3A_580 = arith.constant 0 : i32
    %dma_wait3A_581 = tpu.memref_slice %arg6[%dma_wait3A_565, %dma_wait3A_579, %dma_wait3A_580] : memref<8x8x1024xf32, #tpu.memory_space<vmem>> -> memref<1x8x1024xf32, #tpu.memory_space<vmem>>
    %dma_wait3A_582 = tpu.memref_squeeze %dma_wait3A_581 : memref<1x8x1024xf32, #tpu.memory_space<vmem>> -> memref<8x1024xf32, #tpu.memory_space<vmem>>
    tpu.wait_dma2 semaphore(%dma_wait3A_575 : memref<!tpu.dma_semaphore, #tpu.memory_space<semaphore_mem>>) src(%dma_wait3A_582 : memref<8x1024xf32, #tpu.memory_space<vmem>>) dst(%dma_wait3A_578 : memref<8x1024xf32, #tpu.memory_space<hbm>>)
    return
  }
}

</mosaic_0001>

<sc_bundles>
// kernel: kernel.3.cloned.1.call-start
scs
__scs_entry_jumppad:
0x0: {  	(pc) =	sbr.rel $0x88, $3  }
0x1: {  	(tag) =	ssettag $0x0;
	lr =	simm.s32 $0x1  }
0x2: {  	[smem:$0x3F9F] =	sst lr;
	_ =	strace $0xD0000000  }
0x3: {  	_ = 	snop  }
0x4: {  	_ = 	snop  }
0x5: {  	_ = 	snop  }
0x6: {  	_ = 	snop  }
0x7: {  	_ = 	snop  }
__scs_overlays_trampoline_lowered:
0x8: {  	[smem:$0x3FAE] =	sst s0  }
0x9: {  	[smem:$0x3FAF] =	sst s1  }
0xa: {  	[smem:$0x3FB0] =	sst s2  }
0xb: {  	[smem:$0x3FB1] =	sst s3  }
0xc: {  	[smem:$0x3FB2] =	sst s4  }
0xd: {  	[smem:$0x3FB3] =	sst s5  }
0xe: {  	[smem:$0x3FB4] =	sst s6  }
0xf: {  	[smem:$0x3FB5] =	sst s7  }
0x10: {  	[smem:$0x3FB6] =	sst s8  }
0x11: {  	[smem:$0x3FB7] =	sst s9;
	s0 =	simm.s32 @!p0 $0x0  }
0x12: {  	s1 =	sld [smem:$0x3F9D];
	s0 =	simm.s32 @p0 $0x1  }
0x13: {  	[smem:$0x3FB8] =	sst s0;
	s0 =	simm.s32 @!p1 $0x0  }
0x14: {  	s2 =	sld [smem:$0x3F9C];
	s0 =	simm.s32 @p1 $0x1  }
0x15: {  	[smem:$0x3FB9] =	sst s0;
	s0 =	simm.s32 @!p2 $0x0  }
0x16: {  	s3 =	sld [smem:$0x3FDB];
	s0 =	simm.s32 @p2 $0x1  }
0x17: {  	s4 =	simm.s32 $0x1BF5;
	[smem:$0x3FBB] =	sst s0  }
0x18: {  	s0 =	sld [smem:$0x3F9E];
	_ =	swait.ge [sflag:s4], $0x0  }
0x19: {  	s7 =	sld [smem:$0x3F9F]  }
0x1a: {  	s8 =	sadd.s32 $0xFFFFE003, lr  }
0x1b: {  	s9 =	sadd.s32 $0xFFFFFEF7, lr;
	s5 =	simm.s32 $0xFFFFFFFF;
	p2 =	slt.u32 s8, $0xFFFFF086  }
0x1c: {  	p1 =	slt.u32 s9, $0xF7A;
	s5 =	simm.s32 @!p2 $0x0  }
0x1d: {  	s5 =	simm.s32 @p1 $0x1;
	p0 =	seq.s32 s7, s2  }
0x1e: {  	s7 =	smul.u32 @!p0 $0xF7A, s2;
	p2 =	seq.s32 @!p0 s5, $0x0  }
0x1f: {  	s9 =	smul.u32 $0xF7A, s1;
	s8 =	simm.s32 @!p0 $0x1BF5;
	p2 =	por !p2, p0  }
0x20: {  	[sflag:s8] =	ssyncset.s32 @!p0 $0xFFFFF086;
	s6 =	sadd.s32 @!p0 s3, s7;
	s7 =	simm.s32 @!p0 $0x108  }
0x21: {  	s3 =	sadd.s32 s3, s9;
	s6 =	sadd.s32 @!p0 $0x88, s6;
	s7 =	simm.s32 @p2 $0x1082  }
0x22: {  	[simem:s7], [sflag:s8] =	dma.local @!p0 [hbm:s6], $0xF7A  }
0x23: {  	s9 =	sor.u32 $0xD0000000, s2;
	s6 =	simm.s32 $0x108;
	_ =	swait.ge @!p0 [sflag:s8], $0x0  }
0x24: {  	s3 =	sadd.s32 $0x88, s3;
	s6 =	simm.s32 @!p1 $0x1082;
	[sflag:s4] =	ssyncset.s32 $0xFFFFF086  }
0x25: {  	[simem:s6], [sflag:s4] =	dma.local [hbm:s3], $0xF7A  }
0x26: {  	[smem:$0x3F9F] =	sst s1;
	(tag) =	ssettag s2;
	_ =	strace s9  }
0x27: {  	s1 =	sld [smem:$0x3FAF]  }
0x28: {  	s2 =	sld [smem:$0x3FB0]  }
0x29: {  	s4 =	sld [smem:$0x3FB2]  }
0x2a: {  	p0 =	seq.s32 s5, $0x0;
	s5 =	sld [smem:$0x3FB3]  }
0x2b: {  	s6 =	sld [smem:$0x3FB4]  }
0x2c: {  	s7 =	sld [smem:$0x3FB5]  }
0x2d: {  	s3 =	simm.s32 $0x108;
	s8 =	sld [smem:$0x3FB6]  }
0x2e: {  	s3 =	simm.s32 @!p0 $0x1082;
	s9 =	sld [smem:$0x3FB7]  }
0x2f: {  	lr =	sadd.s32 s0, s3;
	s0 =	sld [smem:$0x3FAE]  }
0x30: {  	s3 =	sld [smem:$0x3FB1]  }
0x31: {  	[smem:$0x3FBA] =	sst s10  }
0x32: {  	s10 =	sld [smem:$0x3FB8];
	_ =	sdelay $0x3  }
0x33: {  	p0 =	seq.s32 s10, $0x1;
	s10 =	sld [smem:$0x3FBA];
	_ =	sdelay $0x3  }
0x34: {  	[smem:$0x3FBA] =	sst s10  }
0x35: {  	s10 =	sld [smem:$0x3FB9];
	_ =	sdelay $0x3  }
0x36: {  	p1 =	seq.s32 s10, $0x1;
	s10 =	sld [smem:$0x3FBA];
	_ =	sdelay $0x3  }
0x37: {  	[smem:$0x3FBA] =	sst s10  }
0x38: {  	s10 =	sld [smem:$0x3FBB]  }
0x39: {  	_ = 	snop;
	(pc) =	sbr.ind lr, $3  }
0x3a: {  	_ = 	snop  }
0x3b: {  	_ = 	snop  }
0x3c: {  	p2 =	seq.s32 s10, $0x1;
	s10 =	sld [smem:$0x3FBA]  }
0x3d: {  	_ =	shalt  }
0x3e: {  	_ =	shalt  }
0x3f: {  	_ =	shalt  }
0x40: {  	_ =	shalt  }
0x41: {  	_ =	shalt  }
0x42: {  	_ =	shalt  }
0x43: {  	_ =	shalt  }
0x44: {  	_ =	shalt  }
0x45: {  	_ =	shalt  }
0x46: {  	_ =	shalt  }
0x47: {  	_ =	shalt  }
0x48: {  	_ =	shalt  }
0x49: {  	_ =	shalt  }
0x4a: {  	_ =	shalt  }
0x4b: {  	_ =	shalt  }
0x4c: {  	_ =	shalt  }
0x4d: {  	_ =	shalt  }
0x4e: {  	_ =	shalt  }
0x4f: {  	_ =	shalt  }
0x50: {  	_ =	shalt  }
0x51: {  	_ =	shalt  }
0x52: {  	_ =	shalt  }
0x53: {  	_ =	shalt  }
0x54: {  	_ =	shalt  }
0x55: {  	_ =	shalt  }
0x56: {  	_ =	shalt  }
0x57: {  	_ =	shalt  }
0x58: {  	_ =	shalt  }
0x59: {  	_ =	shalt  }
0x5a: {  	_ =	shalt  }
0x5b: {  	_ =	shalt  }
0x5c: {  	_ =	shalt  }
0x5d: {  	_ =	shalt  }
0x5e: {  	_ =	shalt  }
0x5f: {  	_ =	shalt  }
0x60: {  	_ =	shalt  }
0x61: {  	_ =	shalt  }
0x62: {  	_ =	shalt  }
0x63: {  	_ =	shalt  }
0x64: {  	_ =	shalt  }
0x65: {  	_ =	shalt  }
0x66: {  	_ =	shalt  }
0x67: {  	_ =	shalt  }
0x68: {  	_ =	shalt  }
0x69: {  	_ =	shalt  }
0x6a: {  	_ =	shalt  }
0x6b: {  	_ =	shalt  }
0x6c: {  	_ =	shalt  }
0x6d: {  	_ =	shalt  }
0x6e: {  	_ =	shalt  }
0x6f: {  	_ =	shalt  }
0x70: {  	_ =	shalt  }
0x71: {  	_ =	shalt  }
0x72: {  	_ =	shalt  }
0x73: {  	_ =	shalt  }
0x74: {  	_ =	shalt  }
0x75: {  	_ =	shalt  }
0x76: {  	_ =	shalt  }
0x77: {  	_ =	shalt  }
0x78: {  	_ =	shalt  }
0x79: {  	_ =	shalt  }
0x7a: {  	_ =	shalt  }
0x7b: {  	_ =	shalt  }
0x7c: {  	_ =	shalt  }
0x7d: {  	_ =	shalt  }
0x7e: {  	_ =	shalt  }
0x7f: {  	_ =	shalt  }
0x80: {  	_ =	shalt  }
0x81: {  	_ =	shalt  }
0x82: {  	_ =	shalt  }
0x83: {  	_ =	shalt  }
0x84: {  	_ =	shalt  }
0x85: {  	_ =	shalt  }
0x86: {  	_ =	shalt  }
0x87: {  	_ =	shalt  }
.Lfunc_end0:
.L_simem_size_0:
called_computation_lowered:
.L_overlay_start_0:
0x88: {  	s2 =	sld [smem:$0x3FD9]  }
0x89: {  	s3 =	sld [smem:$0x3FFE];
	_ =	sdelay $0x1  }
0x8a: {  	s1 =	srdreg.scid  }
0x8b: {  	s0 =	sand.u32 $0x1, s1  }
0x8c: {  	s18 =	sshll.u32 s0, $0xA;
	s2 =	sadd.s32 s3, s2  }
0x8d: {  	s2 =	sadd.s32 s2, s18  }
0x8e: {  	[smem:$0x3FC6] =	sst s2  }
0x8f: {  	_ = 	snop  }
0x90: {  	s2 =	sld [smem:$0x3FC9]  }
0x91: {  	s19 =	sld [smem:$0x3FC8]  }
0x92: {  	s4 =	sld [smem:$0x3FD0];
	(tm) =	ssettm $0x1  }
0x93: {  	s5 =	sld [smem:$0x3FFB];
	_ =	sdelay $0x3  }
0x94: {  	_ =	strace s5  }
0x95: {  	s5 =	sld [smem:$0x3FFC];
	_ =	sdelay $0x3  }
0x96: {  	_ =	strace s5  }
0x97: {  	s5 =	sld [smem:$0x3FFD];
	_ =	sdelay $0x3  }
0x98: {  	_ =	strace s5  }
0x99: {  	_ =	strace $0x8FFFFFFF  }
0x9a: {  	s20 =	sld [smem:$0x3FDB];
	_ =	sdelay $0x1  }
0x9b: {  	s6 =	simm.s32 $_scs_section_size  }
0x9c: {  	s7 =	simm.s32 $_size__tile_overlayer_lowered;
	s8 =	simm.s32 $_tile_overlayer_lowered  }
0x9d: {  	s23 =	simm.s32 $0x1BFF;
	s22 =	sshll.u32 s8, $0x1;
	s5 =	sadd.s32 s6, s20  }
0x9e: {  	s9 =	simm.s32 $0x0;
	s21 =	sshll.u32 s7, $0x1;
	s7 =	sadd.s32 s22, s5  }
0x9f: {  	[timem:s9], [sflag:s23] =	dma.local [hbm:s7], s21  }
0xa0: {  	_ =	swait.ge [sflag:s23], s21  }
0xa1: {  	s6 =	ssub.s32 $0x0, s21;
	[sflag:s23] =	ssyncset.done $0x0  }
0xa2: {  	[sflag:s23] =	ssyncadd.s32 s6;
	_ =	sdelay $0x1  }
0xa3: {  	s24 =	simm.s32 $0x1B8B  }
0xa4: {  	_ =	swait.ge [sflag:s24], $0x1  }
0xa5: {  	[sflag:s24] =	ssyncset.done $0x0  }
0xa6: {  	s25 =	simm.s32 $0x1B8E;
	[sflag:s24] =	ssyncadd.s32 $0xFFFFFFFF  }
0xa7: {  	s26 =	simm.s32 $execute0_lowered;
	[smem:$0x3FD2] =	sst s25  }
0xa8: {  	s6 =	sshll.u32 s26, $0x1;
	_ =	strace $0x80000046;
	[dreg:$0x1] =	wrdreg $0xFFFFFFFF  }
0xa9: {  	s28 =	simm.s32 $_size_execute0_lowered;
	s5 =	sadd.s32 s5, s6;
	[dreg:$0x0] =	wrdreg $0x0  }
0xaa: {  	s6 =	sshll.u32 s28, $0x1;
	[dreg:$0x2] =	wrdreg s5  }
0xab: {  	[dreg:$0x3] =	wrdreg s6  }
0xac: {  	[dreg:$0x4] =	wrdreg $0xC0  }
0xad: {  	_ =	task [dreg:s9], $0x5FFFF  }
0xae: {  	[dreg:$0x1] =	wrdreg $0xFFFFFFFF  }
0xaf: {  	[dreg:$0x0] =	wrdreg $0x60  }
0xb0: {  	[dreg:$0x2] =	wrdreg s19  }
0xb1: {  	[dreg:$0x3] =	wrdreg s2  }
0xb2: {  	[dreg:$0x4] =	wrdreg s4  }
0xb3: {  	[dreg:$0x5] =	wrdreg $0x9  }
0xb4: {  	_ =	task.clear_ibuf [dreg:s9], $0x6FFFF;
	_ =	strace $0x90000046  }
0xb5: {  	s29 =	simm.s32 $0x9;
	_ =	strace $0x80000048  }
0xb6: {  	_ =	swait.ge [sflag:s29], $0x1  }
0xb7: {  	[sflag:s29] =	ssyncadd.s32 $0xFFFFFFFF  }
0xb8: {  	_ =	strace $0x90000048  }
0xb9: {  	_ =	sfence  }
0xba: {  	s30 =	sld [smem:$0x0];
	_ =	sdelay $0x2  }
0xbb: {  	s31 =	sshll.u32 s1, $0xD;
	s1 =	sshrl.u32 s1, $0x2  }
0xbc: {  	s3 =	sand.u32 $0x4000, s31;
	s1 =	sadd.s32 s1, s30  }
0xbd: {  	s0 =	sor.u32 s3, s0;
	s1 =	sshll.u32 s1, $0x11  }
0xbe: {  	s0 =	sor.u32 s1, s0  }
0xbf: {  	s0 =	sadd.s32 $0x8F2B, s0  }
0xc0: {  	[sflag:s0] =	ssyncadd.remote.s32 $0x1  }
0xc1: {  	_ =	sfence.sel $0xFFFF  }
0xc2: {  	[dreg:$0x0] =	wrdreg $0xFFFFFFFF;
	(pc) =	sbr.abs _section_cstart, $3  }
0xc3: {  	[dreg:$0x1] =	wrdreg $0xFFFFFFFF  }
0xc4: {  	_ =	task.clear_ibuf [dreg:s9], $0x2FFFF;
	_ =	strace $0x9FFFFFFF  }
0xc5: {  	(tm) =	ssettm $0x7FFFFFFF  }
tec
execute0_lowered:
.L_overlay_start_1:
0x0: {  	(tag) =	ssettag $0x1  }
0x1: {  	s10 =	stileid.u32;
	s1 =	rddreg [dreg:$0x0]  }
0x2: {  	s0 =	srdreg.scid;
	s4 =	rddreg [dreg:$0x1]  }
0x3: {  	s3 =	simm.s32 $0x0;
	s28 =	simm.s32 $0x1200;
	s29 =	simm.s32 $0x1A00  }
0x4: {  	s30 =	simm.s32 $0xAA00;
	s31 =	simm.s32 $0xC200;
	s2 =	sshll.u32 s10, $0x1  }
0x5: {  	s5 =	sand.u32 $0x1, s0;
	s0 =	rddreg [dreg:$0x2];
	s7 =	sshrl.u32 s10, $0x2  }
0x6: {  	[smem:$0x7FF] =	sst s3;
	s10 =	sand.u32 $0x3, s10;
	s2 =	sand.u32 $0x6, s2  }
0x7: {  	s8 =	sshll.u32 s7, $0x4;
	s9 =	ssub.s32 $0x2, s5;
	_ =	strace $0x80000047  }
0x8: {  	s18 =	sshll.u32 s7, $0x16;
	s7 =	sadd.s32 $0x200, s1;
	s10 =	sshll.u32 s10, $0x14  }
0x9: {  	s2 =	sor.u32 s5, s2;
	s17 =	sshrl.u32 s9, $0x1;
	s19 =	sor.u32 s10, s18  }
0xa: {  	s5 =	sshll.u32 s5, $0x13;
	s6 =	sshll.u32 s2, $0x8;
	s2 =	sshll.u32 s2, $0x13  }
0xb: {  	s10 =	simm.s32 $0x6200;
	s6 =	sor.u32 s8, s6;
	s2 =	sor.u32 s18, s2  }
0xc: {  	s8 =	sadd.s32 $0x300, s1;
	s6 =	sadd.s32 s4, s6;
	s4 =	ssub.s32 s9, s17  }
0xd: {  	s2 =	sshrl.u32 s2, $0x3;
	[dreg:$0xc] =	wrdreg s6;
	s6 =	sadd.s32 $0x40, s6  }
0xe: {  	s11 =	sadd.s32 s0, s2;
	s2 =	sor.u32 s5, s19;
	[dreg:$0xd] =	wrdreg s6  }
0xf: {  	s6 =	sadd.s32 $0x100, s1;
	s20 =	sadd.s32 $0xE400, s11;
	[dreg:$0xe] =	wrdreg s11  }
0x10: {  	s21 =	sadd.s32 $0xE800, s11;
	s22 =	sadd.s32 $0xEC00, s11;
	[dreg:$0xf] =	wrdreg s20  }
0x11: {  	s23 =	sadd.s32 $0xF000, s11;
	s24 =	sor.u32 $0x10000, s2;
	[dreg:$0x10] =	wrdreg s21  }
0x12: {  	s25 =	sadd.s32 $0xF400, s11;
	s26 =	sor.u32 $0x2000, s2;
	[dreg:$0x11] =	wrdreg s22  }
0x13: {  	s12 =	sadd.s32 $0xF800, s11;
	s14 =	sor.u32 $0x4000, s2;
	[dreg:$0x12] =	wrdreg s23  }
0x14: {  	s16 =	sor.u32 $0x6000, s2;
	s17 =	sor.u32 $0x8000, s2;
	[dreg:$0x13] =	wrdreg s25  }
0x15: {  	s5 =	sshrl.u32 s24, $0x3;
	[dreg:$0x14] =	wrdreg s12;
	s9 =	sshrl.u32 s26, $0x3  }
0x16: {  	s15 =	sshrl.u32 s14, $0x3;
	s19 =	sshrl.u32 s17, $0x3;
	s21 =	sor.u32 $0xA000, s2  }
0x17: {  	s23 =	sor.u32 $0xE000, s2;
	s2 =	sor.u32 $0xC000, s2;
	s25 =	sadd.s32 $0xFC00, s11  }
0x18: {  	s26 =	smax.u32 s4, $0x1;
	s11 =	simm.s32 $0x200;
	s14 =	simm.s32 $0x2200  }
0x19: {  	s12 =	simm.s32 $0x2A00;
	s4 =	simm.s32 $0x0;
	s17 =	simm.s32 $0x4  }
0x1a: {  	s5 =	sadd.s32 s5, s0;
	s13 =	sadd.s32 s9, s0;
	s9 =	sshrl.u32 s16, $0x3  }
0x1b: {  	s20 =	sadd.s32 s19, s0;
	s22 =	sshrl.u32 s21, $0x3;
	[dreg:$0x15] =	wrdreg s25  }
0x1c: {  	s2 =	sshrl.u32 s2, $0x3;
	[dreg:$0x16] =	wrdreg s26;
	s19 =	simm.s32 $0x4200  }
0x1d: {  	s16 =	simm.s32 $0xB;
	s21 =	simm.s32 $0x5;
	[dreg:$0x4] =	wrdreg s5  }
0x1e: {  	s25 =	simm.s32 $0x6;
	[dreg:$0x5] =	wrdreg s13;
	s5 =	sadd.s32 s15, s0  }
0x1f: {  	s18 =	sadd.s32 s9, s0;
	[dreg:$0x8] =	wrdreg s20;
	s9 =	sshrl.u32 s23, $0x3  }
0x20: {  	s13 =	simm.s32 $0xA00;
	s23 =	simm.s32 $0xA200;
	[dreg:$0x6] =	wrdreg s5  }
0x21: {  	s20 =	simm.s32 $0xE200;
	s15 =	simm.s32 $0x3;
	[dreg:$0x7] =	wrdreg s18  }
0x22: {  	s5 =	sadd.s32 s22, s0;
	s24 =	sadd.s32 s9, s0;
	s0 =	sadd.s32 s2, s0  }
0x23: {  	v0 =	vlaneseq.u32;
	s9 =	simm.s32 $0x8A00;
	s2 =	simm.s32 $0xCA00;
	[dreg:$0x9] =	wrdreg s5  }
0x24: {  	v1 =	vshrl.u32 v0, $0x3;
	s18 =	simm.s32 $0xC;
	s22 =	simm.s32 $0xD;
	[dreg:$0xa] =	wrdreg s24  }
0x25: {  	vm0 =	vmmov $0xffff;
	v0 =	vand.u32 $0x7, v0;
	v1 =	vmul.u32 $0x8, v1;
	[dreg:$0xb] =	wrdreg s0;
	s0 =	simm.s32 $0x8200;
	s5 =	simm.s32 $0xEA00  }
.LBB2_1:
0x26: {  	[dreg:$0x17] =	wrdreg s4  }
0x27: {  	s24 =	rddreg [dreg:$0xc];
	s26 =	simm.s32 $0x12  }
0x28: {  	[tilespmem:s3], [sflag:$0x12] =	stream.linear.gather [hbm4b:s24+s3], $0x80, $0x38;
	[tilespmem:$0x10200] =	vst v63  }
0x29: {  	_ =	swait.ge [sflag:s26], $0x80  }
0x2a: {  	[sflag:s26] =	ssyncset.done $0x0  }
0x2b: {  	s4 =	rddreg [dreg:$0xd];
	[sflag:s26] =	ssyncadd.s32 $0xFFFFFF80;
	s26 =	simm.s32 $0x80  }
0x2c: {  	[tilespmem:s26], [sflag:$0x11] =	stream.strided.gather [hbm4b:s4+s26], $0x180, s11, s26, $0x38;
	[tilespmem:$0x10200] =	vst v63  }
0x2d: {  	v2 =	vld.msk [tilespmem:$0x0], $0xff;
	_ =	sdelay $0x4  }
0x2e: {  	v3 =	vshll.u32 v2, $0x3  }
0x2f: {  	v2 =	vand.u32 $0x7, v2;
	v3 =	vand.u32 $0xFFFFFFC0, v3  }
0x30: {  	v2 =	vor.u32 v2, v3  }
0x31: {  	v2 =	vperm.xlane v2, v0;
	_ =	sdelay $0x1  }
0x32: {  	v2 =	vadd.s32 v1, v2;
	_ =	sdelay $0x4  }
0x33: {  	[tilespmem:s11], [sflag:$0x1] =	stream.indirect_vreg.gather [hbm4b:s1+s3], $0x80, v2, vm0, $0xb8;
	[tilespmem:$0x10200] =	vst v63  }
0x34: {  	_ = 	snop  }
0x35: {  	[tilespmem:s13], [sflag:$0x1] =	stream.indirect_vreg.gather [hbm4b:s6+s3], $0x80, v2, vm0, $0xb8;
	[tilespmem:$0x10200] =	vst v63  }
0x36: {  	_ = 	snop  }
0x37: {  	[tilespmem:s28], [sflag:$0x1] =	stream.indirect_vreg.gather [hbm4b:s7+s3], $0x80, v2, vm0, $0xb8;
	[tilespmem:$0x10200] =	vst v63  }
0x38: {  	_ = 	snop  }
0x39: {  	[tilespmem:s29], [sflag:$0x1] =	stream.indirect_vreg.gather [hbm4b:s8+s3], $0x80, v2, vm0, $0xb8;
	[tilespmem:$0x10200] =	vst v63  }
0x3a: {  	v2 =	vld.msk [tilespmem:$0x8], $0xff;
	_ =	sdelay $0x4  }
0x3b: {  	v3 =	vshll.u32 v2, $0x3  }
0x3c: {  	v2 =	vand.u32 $0x7, v2;
	v3 =	vand.u32 $0xFFFFFFC0, v3  }
0x3d: {  	v2 =	vor.u32 v2, v3  }
0x3e: {  	v2 =	vperm.xlane v2, v0;
	_ =	sdelay $0x1  }
0x3f: {  	v2 =	vadd.s32 v1, v2;
	_ =	sdelay $0x4  }
0x40: {  	[tilespmem:s14], [sflag:$0x2] =	stream.indirect_vreg.gather [hbm4b:s1+s3], $0x80, v2, vm0, $0xb8;
	[tilespmem:$0x10200] =	vst v63  }
0x41: {  	_ = 	snop  }
0x42: {  	[tilespmem:s12], [sflag:$0x2] =	stream.indirect_vreg.gather [hbm4b:s6+s3], $0x80, v2, vm0, $0xb8;
	[tilespmem:$0x10200] =	vst v63  }
0x43: {  	s12 =	simm.s32 $0x3200  }
0x44: {  	[tilespmem:s12], [sflag:$0x2] =	stream.indirect_vreg.gather [hbm4b:s7+s3], $0x80, v2, vm0, $0xb8;
	[tilespmem:$0x10200] =	vst v63  }
0x45: {  	s13 =	simm.s32 $0x3A00  }
0x46: {  	[tilespmem:s13], [sflag:$0x2] =	stream.indirect_vreg.gather [hbm4b:s8+s3], $0x80, v2, vm0, $0xb8;
	[tilespmem:$0x10200] =	vst v63  }
0x47: {  	v2 =	vld.msk [tilespmem:$0x10], $0xff;
	_ =	sdelay $0x4  }
0x48: {  	v3 =	vshll.u32 v2, $0x3  }
0x49: {  	v2 =	vand.u32 $0x7, v2;
	v3 =	vand.u32 $0xFFFFFFC0, v3  }
0x4a: {  	v2 =	vor.u32 v2, v3  }
0x4b: {  	v2 =	vperm.xlane v2, v0;
	_ =	sdelay $0x1  }
0x4c: {  	v2 =	vadd.s32 v1, v2;
	_ =	sdelay $0x4  }
0x4d: {  	[tilespmem:s19], [sflag:$0x3] =	stream.indirect_vreg.gather [hbm4b:s1+s3], $0x80, v2, vm0, $0xb8;
	[tilespmem:$0x10200] =	vst v63  }
0x4e: {  	s14 =	simm.s32 $0x4A00  }
0x4f: {  	[tilespmem:s14], [sflag:$0x3] =	stream.indirect_vreg.gather [hbm4b:s6+s3], $0x80, v2, vm0, $0xb8;
	[tilespmem:$0x10200] =	vst v63  }
0x50: {  	s19 =	simm.s32 $0x5200  }
0x51: {  	[tilespmem:s19], [sflag:$0x3] =	stream.indirect_vreg.gather [hbm4b:s7+s3], $0x80, v2, vm0, $0xb8;
	[tilespmem:$0x10200] =	vst v63  }
0x52: {  	s24 =	simm.s32 $0x5A00  }
0x53: {  	[tilespmem:s24], [sflag:$0x3] =	stream.indirect_vreg.gather [hbm4b:s8+s3], $0x80, v2, vm0, $0xb8;
	[tilespmem:$0x10200] =	vst v63  }
0x54: {  	v2 =	vld.msk [tilespmem:$0x18], $0xff;
	_ =	sdelay $0x4  }
0x55: {  	v3 =	vshll.u32 v2, $0x3  }
0x56: {  	v2 =	vand.u32 $0x7, v2;
	v3 =	vand.u32 $0xFFFFFFC0, v3  }
0x57: {  	v2 =	vor.u32 v2, v3  }
0x58: {  	v2 =	vperm.xlane v2, v0;
	_ =	sdelay $0x1  }
0x59: {  	v2 =	vadd.s32 v1, v2;
	_ =	sdelay $0x4  }
0x5a: {  	[tilespmem:s10], [sflag:$0x4] =	stream.indirect_vreg.gather [hbm4b:s1+s3], $0x80, v2, vm0, $0xb8;
	[tilespmem:$0x10200] =	vst v63  }
0x5b: {  	s26 =	simm.s32 $0x6A00  }
0x5c: {  	[tilespmem:s26], [sflag:$0x4] =	stream.indirect_vreg.gather [hbm4b:s6+s3], $0x80, v2, vm0, $0xb8;
	[tilespmem:$0x10200] =	vst v63  }
0x5d: {  	s29 =	simm.s32 $0x7200  }
0x5e: {  	[tilespmem:s29], [sflag:$0x4] =	stream.indirect_vreg.gather [hbm4b:s7+s3], $0x80, v2, vm0, $0xb8;
	[tilespmem:$0x10200] =	vst v63  }
0x5f: {  	s10 =	simm.s32 $0x7A00  }
0x60: {  	[tilespmem:s10], [sflag:$0x4] =	stream.indirect_vreg.gather [hbm4b:s8+s3], $0x80, v2, vm0, $0xb8;
	[tilespmem:$0x10200] =	vst v63  }
0x61: {  	v2 =	vld.msk [tilespmem:$0x20], $0xff;
	_ =	sdelay $0x4  }
0x62: {  	v3 =	vshll.u32 v2, $0x3  }
0x63: {  	v2 =	vand.u32 $0x7, v2;
	v3 =	vand.u32 $0xFFFFFFC0, v3  }
0x64: {  	v2 =	vor.u32 v2, v3  }
0x65: {  	v2 =	vperm.xlane v2, v0;
	_ =	sdelay $0x1  }
0x66: {  	v2 =	vadd.s32 v1, v2;
	_ =	sdelay $0x4  }
0x67: {  	[tilespmem:s0], [sflag:$0x5] =	stream.indirect_vreg.gather [hbm4b:s1+s3], $0x80, v2, vm0, $0xb8;
	[tilespmem:$0x10200] =	vst v63  }
0x68: {  	_ = 	snop  }
0x69: {  	[tilespmem:s9], [sflag:$0x5] =	stream.indirect_vreg.gather [hbm4b:s6+s3], $0x80, v2, vm0, $0xb8;
	[tilespmem:$0x10200] =	vst v63  }
0x6a: {  	s11 =	simm.s32 $0x9200  }
0x6b: {  	[tilespmem:s11], [sflag:$0x5] =	stream.indirect_vreg.gather [hbm4b:s7+s3], $0x80, v2, vm0, $0xb8;
	[tilespmem:$0x10200] =	vst v63  }
0x6c: {  	s12 =	simm.s32 $0x9A00  }
0x6d: {  	[tilespmem:s12], [sflag:$0x5] =	stream.indirect_vreg.gather [hbm4b:s8+s3], $0x80, v2, vm0, $0xb8;
	[tilespmem:$0x10200] =	vst v63  }
0x6e: {  	v2 =	vld.msk [tilespmem:$0x28], $0xff;
	_ =	sdelay $0x4  }
0x6f: {  	v3 =	vshll.u32 v2, $0x3  }
0x70: {  	v2 =	vand.u32 $0x7, v2;
	v3 =	vand.u32 $0xFFFFFFC0, v3  }
0x71: {  	v2 =	vor.u32 v2, v3  }
0x72: {  	v2 =	vperm.xlane v2, v0;
	_ =	sdelay $0x1  }
0x73: {  	v2 =	vadd.s32 v1, v2;
	_ =	sdelay $0x4  }
0x74: {  	[tilespmem:s23], [sflag:$0x6] =	stream.indirect_vreg.gather [hbm4b:s1+s3], $0x80, v2, vm0, $0xb8;
	[tilespmem:$0x10200] =	vst v63  }
0x75: {  	_ = 	snop  }
0x76: {  	[tilespmem:s30], [sflag:$0x6] =	stream.indirect_vreg.gather [hbm4b:s6+s3], $0x80, v2, vm0, $0xb8;
	[tilespmem:$0x10200] =	vst v63  }
0x77: {  	s13 =	simm.s32 $0xB200  }
0x78: {  	[tilespmem:s13], [sflag:$0x6] =	stream.indirect_vreg.gather [hbm4b:s7+s3], $0x80, v2, vm0, $0xb8;
	[tilespmem:$0x10200] =	vst v63  }
0x79: {  	s14 =	simm.s32 $0xBA00  }
0x7a: {  	[tilespmem:s14], [sflag:$0x6] =	stream.indirect_vreg.gather [hbm4b:s8+s3], $0x80, v2, vm0, $0xb8;
	[tilespmem:$0x10200] =	vst v63  }
0x7b: {  	v2 =	vld.msk [tilespmem:$0x30], $0xff;
	_ =	sdelay $0x4  }
0x7c: {  	v3 =	vshll.u32 v2, $0x3  }
0x7d: {  	v2 =	vand.u32 $0x7, v2;
	v3 =	vand.u32 $0xFFFFFFC0, v3  }
0x7e: {  	v2 =	vor.u32 v2, v3  }
0x7f: {  	v2 =	vperm.xlane v2, v0;
	_ =	sdelay $0x1  }
0x80: {  	v2 =	vadd.s32 v1, v2;
	_ =	sdelay $0x4  }
0x81: {  	[tilespmem:s31], [sflag:$0x7] =	stream.indirect_vreg.gather [hbm4b:s1+s3], $0x80, v2, vm0, $0xb8;
	[tilespmem:$0x10200] =	vst v63  }
0x82: {  	_ = 	snop  }
0x83: {  	[tilespmem:s2], [sflag:$0x7] =	stream.indirect_vreg.gather [hbm4b:s6+s3], $0x80, v2, vm0, $0xb8;
	[tilespmem:$0x10200] =	vst v63  }
0x84: {  	s19 =	simm.s32 $0xD200  }
0x85: {  	[tilespmem:s19], [sflag:$0x7] =	stream.indirect_vreg.gather [hbm4b:s7+s3], $0x80, v2, vm0, $0xb8;
	[tilespmem:$0x10200] =	vst v63  }
0x86: {  	s24 =	simm.s32 $0x11;
	s23 =	simm.s32 $0xDA00  }
0x87: {  	[tilespmem:s23], [sflag:$0x7] =	stream.indirect_vreg.gather [hbm4b:s8+s3], $0x80, v2, vm0, $0xb8;
	[tilespmem:$0x10200] =	vst v63  }
0x88: {  	_ =	swait.ge [sflag:s24], $0x180  }
0x89: {  	[sflag:s24] =	ssyncset.done $0x0  }
0x8a: {  	[sflag:s24] =	ssyncadd.s32 $0xFFFFFE80  }
0x8b: {  	v2 =	vld.msk [tilespmem:$0x38], $0xff;
	_ =	sdelay $0x4  }
0x8c: {  	v3 =	vshll.u32 v2, $0x3  }
0x8d: {  	v2 =	vand.u32 $0x7, v2;
	v3 =	vand.u32 $0xFFFFFFC0, v3  }
0x8e: {  	v2 =	vor.u32 v2, v3  }
0x8f: {  	v2 =	vperm.xlane v2, v0;
	_ =	sdelay $0x1  }
0x90: {  	v2 =	vadd.s32 v1, v2;
	_ =	sdelay $0x4  }
0x91: {  	[tilespmem:s20], [sflag:$0x8] =	stream.indirect_vreg.gather [hbm4b:s1+s3], $0x80, v2, vm0, $0xb8;
	[tilespmem:$0x10200] =	vst v63  }
0x92: {  	_ = 	snop  }
0x93: {  	[tilespmem:s5], [sflag:$0x8] =	stream.indirect_vreg.gather [hbm4b:s6+s3], $0x80, v2, vm0, $0xb8;
	[tilespmem:$0x10200] =	vst v63  }
0x94: {  	s26 =	simm.s32 $0xF200  }
0x95: {  	[tilespmem:s26], [sflag:$0x8] =	stream.indirect_vreg.gather [hbm4b:s7+s3], $0x80, v2, vm0, $0xb8;
	[tilespmem:$0x10200] =	vst v63  }
0x96: {  	s4 =	simm.s32 $0x1;
	s28 =	simm.s32 $0x0;
	s29 =	simm.s32 $0xFA00  }
0x97: {  	[tilespmem:s29], [sflag:$0x8] =	stream.indirect_vreg.gather [hbm4b:s8+s3], $0x80, v2, vm0, $0xb8;
	[tilespmem:$0x10200] =	vst v63  }
0x98: {  	s11 =	simm.s32 $0x9;
	s12 =	simm.s32 $0x2;
	_ =	swait.ge [sflag:s4], $0x2000  }
0x99: {  	s30 =	simm.s32 $0x200;
	s13 =	simm.s32 $0xA;
	[sflag:s4] =	ssyncset.done $0x0  }
0x9a: {  	s26 =	simm.s32 $0x78;
	s31 =	rddreg [dreg:$0xe];
	[sflag:s4] =	ssyncadd.s32 $0xFFFFE000  }
0x9b: {  	[hbm4b:s31+s3] =	stream.linear.scatter [tilespmem:s30], [sflag:$0x9], $0x2000, $0x38;
	[tilespmem:$0x10200] =	vst v63  }
.LBB2_2:
0x9c: {  	_ =	swait.ge [sflag:s11], $0x2000  }
0x9d: {  	[sflag:s11] =	ssyncset.done $0x0  }
0x9e: {  	[sflag:s11] =	ssyncadd.s32 $0xFFFFE000  }
0x9f: {  	v2 =	vld.msk [tilespmem:s26+$0xFFFFFFC8], $0xff;
	_ =	sdelay $0x4  }
0xa0: {  	v3 =	vshll.u32 v2, $0x3  }
0xa1: {  	v2 =	vand.u32 $0x7, v2;
	v3 =	vand.u32 $0xFFFFFFC0, v3  }
0xa2: {  	v2 =	vor.u32 v2, v3  }
0xa3: {  	v2 =	vperm.xlane v2, v0;
	_ =	sdelay $0x1  }
0xa4: {  	v2 =	vadd.s32 v1, v2;
	_ =	sdelay $0x3  }
0xa5: {  	s29 =	simm.s32 $0x200  }
0xa6: {  	[tilespmem:s29], [sflag:$0x1] =	stream.indirect_vreg.gather [hbm4b:s1+s3], $0x80, v2, vm0, $0xb8;
	[tilespmem:$0x10200] =	vst v63  }
0xa7: {  	s0 =	simm.s32 $0xA00  }
0xa8: {  	[tilespmem:s0], [sflag:$0x1] =	stream.indirect_vreg.gather [hbm4b:s6+s3], $0x80, v2, vm0, $0xb8;
	[tilespmem:$0x10200] =	vst v63  }
0xa9: {  	s14 =	simm.s32 $0x1200  }
0xaa: {  	[tilespmem:s14], [sflag:$0x1] =	stream.indirect_vreg.gather [hbm4b:s7+s3], $0x80, v2, vm0, $0xb8;
	[tilespmem:$0x10200] =	vst v63  }
0xab: {  	s19 =	simm.s32 $0x1A00  }
0xac: {  	[tilespmem:s19], [sflag:$0x1] =	stream.indirect_vreg.gather [hbm4b:s8+s3], $0x80, v2, vm0, $0xb8;
	[tilespmem:$0x10200] =	vst v63  }
0xad: {  	_ =	swait.ge [sflag:s12], $0x2000  }
0xae: {  	s24 =	rddreg [dreg:$0x5];
	[sflag:s12] =	ssyncset.done $0x0  }
0xaf: {  	s19 =	simm.s32 $0x2200;
	[sflag:s12] =	ssyncadd.s32 $0xFFFFE000;
	s24 =	sadd.s32 s28, s24  }
0xb0: {  	[hbm4b:s24+s3] =	stream.linear.scatter [tilespmem:s19], [sflag:$0xA], $0x2000, $0x38;
	[tilespmem:$0x10200] =	vst v63  }
0xb1: {  	_ =	swait.ge [sflag:s13], $0x2000  }
0xb2: {  	[sflag:s13] =	ssyncset.done $0x0  }
0xb3: {  	[sflag:s13] =	ssyncadd.s32 $0xFFFFE000  }
0xb4: {  	v2 =	vld.msk [tilespmem:s26+$0xFFFFFFD0], $0xff;
	_ =	sdelay $0x4  }
0xb5: {  	v3 =	vshll.u32 v2, $0x3  }
0xb6: {  	v2 =	vand.u32 $0x7, v2;
	v3 =	vand.u32 $0xFFFFFFC0, v3  }
0xb7: {  	v2 =	vor.u32 v2, v3  }
0xb8: {  	v2 =	vperm.xlane v2, v0;
	_ =	sdelay $0x1  }
0xb9: {  	v2 =	vadd.s32 v1, v2;
	_ =	sdelay $0x4  }
0xba: {  	[tilespmem:s19], [sflag:$0x2] =	stream.indirect_vreg.gather [hbm4b:s1+s3], $0x80, v2, vm0, $0xb8;
	[tilespmem:$0x10200] =	vst v63  }
0xbb: {  	s20 =	simm.s32 $0x2A00  }
0xbc: {  	[tilespmem:s20], [sflag:$0x2] =	stream.indirect_vreg.gather [hbm4b:s6+s3], $0x80, v2, vm0, $0xb8;
	[tilespmem:$0x10200] =	vst v63  }
0xbd: {  	s23 =	simm.s32 $0x3200  }
0xbe: {  	[tilespmem:s23], [sflag:$0x2] =	stream.indirect_vreg.gather [hbm4b:s7+s3], $0x80, v2, vm0, $0xb8;
	[tilespmem:$0x10200] =	vst v63  }
0xbf: {  	s24 =	simm.s32 $0x3A00  }
0xc0: {  	[tilespmem:s24], [sflag:$0x2] =	stream.indirect_vreg.gather [hbm4b:s8+s3], $0x80, v2, vm0, $0xb8;
	[tilespmem:$0x10200] =	vst v63  }
0xc1: {  	_ =	swait.ge [sflag:s15], $0x2000  }
0xc2: {  	s2 =	rddreg [dreg:$0x6];
	[sflag:s15] =	ssyncset.done $0x0  }
0xc3: {  	s10 =	simm.s32 $0x4200;
	[sflag:s15] =	ssyncadd.s32 $0xFFFFE000;
	s24 =	sadd.s32 s28, s2  }
0xc4: {  	[hbm4b:s24+s3] =	stream.linear.scatter [tilespmem:s10], [sflag:$0xB], $0x2000, $0x38;
	[tilespmem:$0x10200] =	vst v63  }
0xc5: {  	_ =	swait.ge [sflag:s16], $0x2000  }
0xc6: {  	[sflag:s16] =	ssyncset.done $0x0  }
0xc7: {  	[sflag:s16] =	ssyncadd.s32 $0xFFFFE000  }
0xc8: {  	v2 =	vld.msk [tilespmem:s26+$0xFFFFFFD8], $0xff;
	_ =	sdelay $0x4  }
0xc9: {  	v3 =	vshll.u32 v2, $0x3  }
0xca: {  	v2 =	vand.u32 $0x7, v2;
	v3 =	vand.u32 $0xFFFFFFC0, v3  }
0xcb: {  	v2 =	vor.u32 v2, v3  }
0xcc: {  	v2 =	vperm.xlane v2, v0;
	_ =	sdelay $0x1  }
0xcd: {  	v2 =	vadd.s32 v1, v2;
	_ =	sdelay $0x4  }
0xce: {  	[tilespmem:s10], [sflag:$0x3] =	stream.indirect_vreg.gather [hbm4b:s1+s3], $0x80, v2, vm0, $0xb8;
	[tilespmem:$0x10200] =	vst v63  }
0xcf: {  	s5 =	simm.s32 $0x4A00  }
0xd0: {  	[tilespmem:s5], [sflag:$0x3] =	stream.indirect_vreg.gather [hbm4b:s6+s3], $0x80, v2, vm0, $0xb8;
	[tilespmem:$0x10200] =	vst v63  }
0xd1: {  	s9 =	simm.s32 $0x5200  }
0xd2: {  	[tilespmem:s9], [sflag:$0x3] =	stream.indirect_vreg.gather [hbm4b:s7+s3], $0x80, v2, vm0, $0xb8;
	[tilespmem:$0x10200] =	vst v63  }
0xd3: {  	s10 =	simm.s32 $0x5A00  }
0xd4: {  	[tilespmem:s10], [sflag:$0x3] =	stream.indirect_vreg.gather [hbm4b:s8+s3], $0x80, v2, vm0, $0xb8;
	[tilespmem:$0x10200] =	vst v63  }
0xd5: {  	_ =	swait.ge [sflag:s17], $0x2000  }
0xd6: {  	s20 =	rddreg [dreg:$0x7];
	[sflag:s17] =	ssyncset.done $0x0  }
0xd7: {  	s23 =	simm.s32 $0x6200;
	[sflag:s17] =	ssyncadd.s32 $0xFFFFE000;
	s24 =	sadd.s32 s28, s20  }
0xd8: {  	[hbm4b:s24+s3] =	stream.linear.scatter [tilespmem:s23], [sflag:$0xC], $0x2000, $0x38;
	[tilespmem:$0x10200] =	vst v63  }
0xd9: {  	_ =	swait.ge [sflag:s18], $0x2000  }
0xda: {  	[sflag:s18] =	ssyncset.done $0x0  }
0xdb: {  	[sflag:s18] =	ssyncadd.s32 $0xFFFFE000  }
0xdc: {  	v2 =	vld.msk [tilespmem:s26+$0xFFFFFFE0], $0xff;
	_ =	sdelay $0x4  }
0xdd: {  	v3 =	vshll.u32 v2, $0x3  }
0xde: {  	v2 =	vand.u32 $0x7, v2;
	v3 =	vand.u32 $0xFFFFFFC0, v3  }
0xdf: {  	v2 =	vor.u32 v2, v3  }
0xe0: {  	v2 =	vperm.xlane v2, v0;
	_ =	sdelay $0x1  }
0xe1: {  	v2 =	vadd.s32 v1, v2;
	_ =	sdelay $0x4  }
0xe2: {  	[tilespmem:s23], [sflag:$0x4] =	stream.indirect_vreg.gather [hbm4b:s1+s3], $0x80, v2, vm0, $0xb8;
	[tilespmem:$0x10200] =	vst v63  }
0xe3: {  	s24 =	simm.s32 $0x6A00  }
0xe4: {  	[tilespmem:s24], [sflag:$0x4] =	stream.indirect_vreg.gather [hbm4b:s6+s3], $0x80, v2, vm0, $0xb8;
	[tilespmem:$0x10200] =	vst v63  }
0xe5: {  	s2 =	simm.s32 $0x7200  }
0xe6: {  	[tilespmem:s2], [sflag:$0x4] =	stream.indirect_vreg.gather [hbm4b:s7+s3], $0x80, v2, vm0, $0xb8;
	[tilespmem:$0x10200] =	vst v63  }
0xe7: {  	s5 =	simm.s32 $0x7A00  }
0xe8: {  	[tilespmem:s5], [sflag:$0x4] =	stream.indirect_vreg.gather [hbm4b:s8+s3], $0x80, v2, vm0, $0xb8;
	[tilespmem:$0x10200] =	vst v63  }
0xe9: {  	_ =	swait.ge [sflag:s21], $0x2000  }
0xea: {  	s9 =	rddreg [dreg:$0x8];
	[sflag:s21] =	ssyncset.done $0x0  }
0xeb: {  	[sflag:s21] =	ssyncadd.s32 $0xFFFFE000;
	s24 =	sadd.s32 s28, s9;
	s9 =	simm.s32 $0x8200  }
0xec: {  	[hbm4b:s24+s3] =	stream.linear.scatter [tilespmem:s9], [sflag:$0xD], $0x2000, $0x38;
	[tilespmem:$0x10200] =	vst v63  }
0xed: {  	_ =	swait.ge [sflag:s22], $0x2000  }
0xee: {  	[sflag:s22] =	ssyncset.done $0x0  }
0xef: {  	[sflag:s22] =	ssyncadd.s32 $0xFFFFE000  }
0xf0: {  	v2 =	vld.msk [tilespmem:s26+$0xFFFFFFE8], $0xff;
	_ =	sdelay $0x4  }
0xf1: {  	v3 =	vshll.u32 v2, $0x3  }
0xf2: {  	v2 =	vand.u32 $0x7, v2;
	v3 =	vand.u32 $0xFFFFFFC0, v3  }
0xf3: {  	v2 =	vor.u32 v2, v3  }
0xf4: {  	v2 =	vperm.xlane v2, v0;
	_ =	sdelay $0x1  }
0xf5: {  	v2 =	vadd.s32 v1, v2;
	_ =	sdelay $0x4  }
0xf6: {  	[tilespmem:s9], [sflag:$0x5] =	stream.indirect_vreg.gather [hbm4b:s1+s3], $0x80, v2, vm0, $0xb8;
	[tilespmem:$0x10200] =	vst v63  }
0xf7: {  	s9 =	simm.s32 $0x8A00  }
0xf8: {  	[tilespmem:s9], [sflag:$0x5] =	stream.indirect_vreg.gather [hbm4b:s6+s3], $0x80, v2, vm0, $0xb8;
	[tilespmem:$0x10200] =	vst v63  }
0xf9: {  	s2 =	simm.s32 $0x9200  }
0xfa: {  	[tilespmem:s2], [sflag:$0x5] =	stream.indirect_vreg.gather [hbm4b:s7+s3], $0x80, v2, vm0, $0xb8;
	[tilespmem:$0x10200] =	vst v63  }
0xfb: {  	s20 =	simm.s32 $0x9A00  }
0xfc: {  	[tilespmem:s20], [sflag:$0x5] =	stream.indirect_vreg.gather [hbm4b:s8+s3], $0x80, v2, vm0, $0xb8;
	[tilespmem:$0x10200] =	vst v63  }
0xfd: {  	_ =	swait.ge [sflag:s25], $0x2000  }
0xfe: {  	s23 =	rddreg [dreg:$0x9];
	[sflag:s25] =	ssyncset.done $0x0  }
0xff: {  	s30 =	simm.s32 $0xA200;
	[sflag:s25] =	ssyncadd.s32 $0xFFFFE000;
	s24 =	sadd.s32 s28, s23  }
0x100: {  	[hbm4b:s24+s3] =	stream.linear.scatter [tilespmem:s30], [sflag:$0xE], $0x2000, $0x38;
	[tilespmem:$0x10200] =	vst v63  }
0x101: {  	s24 =	simm.s32 $0xE  }
0x102: {  	_ =	swait.ge [sflag:s24], $0x2000  }
0x103: {  	[sflag:s24] =	ssyncset.done $0x0  }
0x104: {  	[sflag:s24] =	ssyncadd.s32 $0xFFFFE000  }
0x105: {  	v2 =	vld.msk [tilespmem:s26+$0xFFFFFFF0], $0xff;
	_ =	sdelay $0x4  }
0x106: {  	v3 =	vshll.u32 v2, $0x3  }
0x107: {  	v2 =	vand.u32 $0x7, v2;
	v3 =	vand.u32 $0xFFFFFFC0, v3  }
0x108: {  	v2 =	vor.u32 v2, v3  }
0x109: {  	v2 =	vperm.xlane v2, v0;
	_ =	sdelay $0x1  }
0x10a: {  	v2 =	vadd.s32 v1, v2;
	_ =	sdelay $0x4  }
0x10b: {  	[tilespmem:s30], [sflag:$0x6] =	stream.indirect_vreg.gather [hbm4b:s1+s3], $0x80, v2, vm0, $0xb8;
	[tilespmem:$0x10200] =	vst v63  }
0x10c: {  	s30 =	simm.s32 $0xAA00  }
0x10d: {  	[tilespmem:s30], [sflag:$0x6] =	stream.indirect_vreg.gather [hbm4b:s6+s3], $0x80, v2, vm0, $0xb8;
	[tilespmem:$0x10200] =	vst v63  }
0x10e: {  	s5 =	simm.s32 $0xB200  }
0x10f: {  	[tilespmem:s5], [sflag:$0x6] =	stream.indirect_vreg.gather [hbm4b:s7+s3], $0x80, v2, vm0, $0xb8;
	[tilespmem:$0x10200] =	vst v63  }
0x110: {  	s20 =	simm.s32 $0xBA00;
	s24 =	simm.s32 $0x7  }
0x111: {  	[tilespmem:s20], [sflag:$0x6] =	stream.indirect_vreg.gather [hbm4b:s8+s3], $0x80, v2, vm0, $0xb8;
	[tilespmem:$0x10200] =	vst v63  }
0x112: {  	_ =	swait.ge [sflag:s24], $0x2000  }
0x113: {  	s20 =	simm.s32 $0xC200;
	s5 =	rddreg [dreg:$0xb];
	[sflag:s24] =	ssyncset.done $0x0  }
0x114: {  	[sflag:s24] =	ssyncadd.s32 $0xFFFFE000;
	s24 =	sadd.s32 s28, s5;
	s5 =	simm.s32 $0xF  }
0x115: {  	[hbm4b:s24+s3] =	stream.linear.scatter [tilespmem:s20], [sflag:$0xF], $0x2000, $0x38;
	[tilespmem:$0x10200] =	vst v63  }
0x116: {  	_ =	swait.ge [sflag:s5], $0x2000  }
0x117: {  	[sflag:s5] =	ssyncset.done $0x0  }
0x118: {  	[sflag:s5] =	ssyncadd.s32 $0xFFFFE000  }
0x119: {  	v2 =	vld.msk [tilespmem:s26+$0xFFFFFFF8], $0xff;
	_ =	sdelay $0x4  }
0x11a: {  	v3 =	vshll.u32 v2, $0x3  }
0x11b: {  	v2 =	vand.u32 $0x7, v2;
	v3 =	vand.u32 $0xFFFFFFC0, v3  }
0x11c: {  	v2 =	vor.u32 v2, v3  }
0x11d: {  	v2 =	vperm.xlane v2, v0;
	_ =	sdelay $0x1  }
0x11e: {  	v2 =	vadd.s32 v1, v2;
	_ =	sdelay $0x4  }
0x11f: {  	[tilespmem:s20], [sflag:$0x7] =	stream.indirect_vreg.gather [hbm4b:s1+s3], $0x80, v2, vm0, $0xb8;
	[tilespmem:$0x10200] =	vst v63  }
0x120: {  	s2 =	simm.s32 $0xCA00  }
0x121: {  	[tilespmem:s2], [sflag:$0x7] =	stream.indirect_vreg.gather [hbm4b:s6+s3], $0x80, v2, vm0, $0xb8;
	[tilespmem:$0x10200] =	vst v63  }
0x122: {  	s24 =	simm.s32 $0xD200  }
0x123: {  	[tilespmem:s24], [sflag:$0x7] =	stream.indirect_vreg.gather [hbm4b:s7+s3], $0x80, v2, vm0, $0xb8;
	[tilespmem:$0x10200] =	vst v63  }
0x124: {  	s20 =	simm.s32 $0xDA00;
	s24 =	simm.s32 $0x8  }
0x125: {  	[tilespmem:s20], [sflag:$0x7] =	stream.indirect_vreg.gather [hbm4b:s8+s3], $0x80, v2, vm0, $0xb8;
	[tilespmem:$0x10200] =	vst v63  }
0x126: {  	_ =	swait.ge [sflag:s24], $0x2000  }
0x127: {  	s5 =	simm.s32 $0xE200;
	s20 =	rddreg [dreg:$0xa];
	[sflag:s24] =	ssyncset.done $0x0  }
0x128: {  	[sflag:s24] =	ssyncadd.s32 $0xFFFFE000;
	s24 =	sadd.s32 s28, s20;
	s20 =	simm.s32 $0x10  }
0x129: {  	[hbm4b:s24+s3] =	stream.linear.scatter [tilespmem:s5], [sflag:$0x10], $0x2000, $0x38;
	[tilespmem:$0x10200] =	vst v63  }
0x12a: {  	_ =	swait.ge [sflag:s20], $0x2000  }
0x12b: {  	[sflag:s20] =	ssyncset.done $0x0  }
0x12c: {  	[sflag:s20] =	ssyncadd.s32 $0xFFFFE000  }
0x12d: {  	v2 =	vld.msk [tilespmem:s26+$0x0], $0xff;
	_ =	sdelay $0x4  }
0x12e: {  	v3 =	vshll.u32 v2, $0x3  }
0x12f: {  	v2 =	vand.u32 $0x7, v2;
	v3 =	vand.u32 $0xFFFFFFC0, v3  }
0x130: {  	v2 =	vor.u32 v2, v3  }
0x131: {  	v2 =	vperm.xlane v2, v0;
	_ =	sdelay $0x1  }
0x132: {  	v2 =	vadd.s32 v1, v2;
	_ =	sdelay $0x4  }
0x133: {  	[tilespmem:s5], [sflag:$0x8] =	stream.indirect_vreg.gather [hbm4b:s1+s3], $0x80, v2, vm0, $0xb8;
	[tilespmem:$0x10200] =	vst v63  }
0x134: {  	s5 =	simm.s32 $0xEA00  }
0x135: {  	[tilespmem:s5], [sflag:$0x8] =	stream.indirect_vreg.gather [hbm4b:s6+s3], $0x80, v2, vm0, $0xb8;
	[tilespmem:$0x10200] =	vst v63  }
0x136: {  	s31 =	simm.s32 $0xC200;
	p0 =	sne.s32 s28, $0xC000;
	s24 =	simm.s32 $0xF200  }
0x137: {  	[tilespmem:s24], [sflag:$0x8] =	stream.indirect_vreg.gather [hbm4b:s7+s3], $0x80, v2, vm0, $0xb8;
	[tilespmem:$0x10200] =	vst v63  }
0x138: {  	s0 =	simm.s32 $0x8200;
	s14 =	simm.s32 $0x2200;
	s24 =	simm.s32 $0xFA00  }
0x139: {  	[tilespmem:s24], [sflag:$0x8] =	stream.indirect_vreg.gather [hbm4b:s8+s3], $0x80, v2, vm0, $0xb8;
	[tilespmem:$0x10200] =	vst v63  }
.Ltmp0:
0x13a: {  	s19 =	simm.s32 $0x4200;
	s10 =	simm.s32 $0x6200;
	(pc) =	sbr.rel @p0 .LBB2_2-.Ltmp0, $4  }
0x13b: {  	s23 =	simm.s32 $0xA200;
	s20 =	simm.s32 $0xE200;
	_ =	swait.ge [sflag:s4], $0x2000  }
0x13c: {  	s26 =	sadd.s32 $0x40, s26;
	s24 =	rddreg [dreg:$0x4];
	[sflag:s4] =	ssyncset.done $0x0  }
0x13d: {  	[sflag:s4] =	ssyncadd.s32 $0xFFFFE000;
	s24 =	sadd.s32 s28, s24;
	s28 =	sadd.s32 $0x2000, s28  }
0x13e: {  	[hbm4b:s24+s3] =	stream.linear.scatter [tilespmem:s29], [sflag:$0x9], $0x2000, $0x38;
	[tilespmem:$0x10200] =	vst v63  }
0x13f: {  	_ =	swait.ge [sflag:s11], $0x2000  }
0x140: {  	[sflag:s11] =	ssyncset.done $0x0  }
0x141: {  	[sflag:s11] =	ssyncadd.s32 $0xFFFFE000  }
0x142: {  	_ =	swait.ge [sflag:s12], $0x2000  }
0x143: {  	[sflag:s12] =	ssyncset.done $0x0  }
0x144: {  	s24 =	rddreg [dreg:$0xf];
	[sflag:s12] =	ssyncadd.s32 $0xFFFFE000  }
0x145: {  	[hbm4b:s24+s3] =	stream.linear.scatter [tilespmem:s14], [sflag:$0xA], $0x2000, $0x38;
	[tilespmem:$0x10200] =	vst v63  }
0x146: {  	_ =	swait.ge [sflag:s13], $0x2000  }
0x147: {  	[sflag:s13] =	ssyncset.done $0x0  }
0x148: {  	[sflag:s13] =	ssyncadd.s32 $0xFFFFE000  }
0x149: {  	_ =	swait.ge [sflag:s15], $0x2000  }
0x14a: {  	[sflag:s15] =	ssyncset.done $0x0  }
0x14b: {  	s13 =	rddreg [dreg:$0x10];
	[sflag:s15] =	ssyncadd.s32 $0xFFFFE000  }
0x14c: {  	[hbm4b:s13+s3] =	stream.linear.scatter [tilespmem:s19], [sflag:$0xB], $0x2000, $0x38;
	[tilespmem:$0x10200] =	vst v63  }
0x14d: {  	_ =	swait.ge [sflag:s16], $0x2000  }
0x14e: {  	[sflag:s16] =	ssyncset.done $0x0  }
0x14f: {  	[sflag:s16] =	ssyncadd.s32 $0xFFFFE000  }
0x150: {  	_ =	swait.ge [sflag:s17], $0x2000  }
0x151: {  	[sflag:s17] =	ssyncset.done $0x0  }
0x152: {  	s26 =	rddreg [dreg:$0x11];
	[sflag:s17] =	ssyncadd.s32 $0xFFFFE000  }
0x153: {  	[hbm4b:s26+s3] =	stream.linear.scatter [tilespmem:s10], [sflag:$0xC], $0x2000, $0x38;
	[tilespmem:$0x10200] =	vst v63  }
0x154: {  	_ =	swait.ge [sflag:s18], $0x2000  }
0x155: {  	[sflag:s18] =	ssyncset.done $0x0  }
0x156: {  	[sflag:s18] =	ssyncadd.s32 $0xFFFFE000  }
0x157: {  	_ =	swait.ge [sflag:s21], $0x2000  }
0x158: {  	[sflag:s21] =	ssyncset.done $0x0  }
0x159: {  	s4 =	rddreg [dreg:$0x12];
	[sflag:s21] =	ssyncadd.s32 $0xFFFFE000  }
0x15a: {  	[hbm4b:s4+s3] =	stream.linear.scatter [tilespmem:s0], [sflag:$0xD], $0x2000, $0x38;
	[tilespmem:$0x10200] =	vst v63  }
0x15b: {  	_ =	swait.ge [sflag:s22], $0x2000  }
0x15c: {  	[sflag:s22] =	ssyncset.done $0x0  }
0x15d: {  	[sflag:s22] =	ssyncadd.s32 $0xFFFFE000  }
0x15e: {  	_ =	swait.ge [sflag:s25], $0x2000  }
0x15f: {  	[sflag:s25] =	ssyncset.done $0x0  }
0x160: {  	s4 =	simm.s32 $0xE;
	s11 =	rddreg [dreg:$0x13];
	[sflag:s25] =	ssyncadd.s32 $0xFFFFE000  }
0x161: {  	[hbm4b:s11+s3] =	stream.linear.scatter [tilespmem:s23], [sflag:$0xE], $0x2000, $0x38;
	[tilespmem:$0x10200] =	vst v63  }
0x162: {  	_ =	swait.ge [sflag:s4], $0x2000  }
0x163: {  	[sflag:s4] =	ssyncset.done $0x0  }
0x164: {  	s12 =	simm.s32 $0x7;
	[sflag:s4] =	ssyncadd.s32 $0xFFFFE000  }
0x165: {  	_ =	swait.ge [sflag:s12], $0x2000  }
0x166: {  	[sflag:s12] =	ssyncset.done $0x0  }
0x167: {  	s26 =	simm.s32 $0xF;
	s13 =	rddreg [dreg:$0x14];
	[sflag:s12] =	ssyncadd.s32 $0xFFFFE000  }
0x168: {  	[hbm4b:s13+s3] =	stream.linear.scatter [tilespmem:s31], [sflag:$0xF], $0x2000, $0x38;
	[tilespmem:$0x10200] =	vst v63  }
0x169: {  	_ =	swait.ge [sflag:s26], $0x2000  }
0x16a: {  	[sflag:s26] =	ssyncset.done $0x0  }
0x16b: {  	s11 =	simm.s32 $0x8;
	[sflag:s26] =	ssyncadd.s32 $0xFFFFE000  }
0x16c: {  	_ =	swait.ge [sflag:s11], $0x2000  }
0x16d: {  	[sflag:s11] =	ssyncset.done $0x0  }
0x16e: {  	s13 =	simm.s32 $0x10;
	s12 =	rddreg [dreg:$0x15];
	[sflag:s11] =	ssyncadd.s32 $0xFFFFE000  }
0x16f: {  	[hbm4b:s12+s3] =	stream.linear.scatter [tilespmem:s20], [sflag:$0x10], $0x2000, $0x38;
	[tilespmem:$0x10200] =	vst v63  }
0x170: {  	_ =	swait.ge [sflag:s13], $0x2000  }
0x171: {  	s24 =	rddreg [dreg:$0x17]  }
0x172: {  	s26 =	rddreg [dreg:$0x16];
	s4 =	sadd.s32 $0x1, s24  }
0x173: {  	p0 =	sne.s32 s4, s26  }
.Ltmp1:
0x174: {  	_ = 	snop;
	(pc) =	sbr.rel @p0 .LBB2_1-.Ltmp1, $4  }
0x175: {  	_ = 	snop  }
0x176: {  	s28 =	simm.s32 $0x1200  }
0x177: {  	s29 =	simm.s32 $0x1A00;
	s11 =	simm.s32 $0x200;
	[sflag:s13] =	ssyncset.done $0x0  }
0x178: {  	s12 =	simm.s32 $0x2A00;
	[sflag:s13] =	ssyncadd.s32 $0xFFFFE000;
	s13 =	simm.s32 $0xA00  }
0x179: {  	_ =	sfence.sel $0x180000  }
0x17a: {  	[bflag:$0x0] =	sbarrier.arrive $0xFFFF  }
0x17b: {  	_ =	strace $0x90000047  }
0x17c: {  	s0 =	stileid.u32;
	[bflag:$0x2] =	sbarrier.arrive $0xFFFF  }
0x17d: {  	p0 =	sne.s32 s0, $0x0;
	s0 =	rddreg [dreg:$0x3]  }
0x17e: {  	s0 =	sadd.s32 @!p0 $0x100000, s0  }
0x17f: {  	[sflag:s0] =	ssyncadd.tile.s32 @!p0 $0x1;
	_ =	shalt  }
.Lfunc_end2:
_tile_overlayer_lowered:
.L_overlay_start_2:
0x180: {  	(tag) =	ssettag $0x2  }
0x181: {  	s0 =	rddreg [dreg:$0x0];
	s2 =	stileid.u32  }
0x182: {  	s1 =	rddreg [dreg:$0x1];
	p0 =	sne.s32 s2, $0x0  }
0x183: {  	s3 =	rddreg [dreg:$0x2];
	[bflag:$0x3] =	sbarrier.arrive $0xFFFF;
	s2 =	simm.s32 @!p0 $0x1C12  }
0x184: {  	[timem:s3], [sflag:s2] =	dma.local @!p0 [hbm:s0], s1  }
0x185: {  	s0 =	simm.s32 @!p0 $0x12  }
0x186: {  	_ =	swait.ge @!p0 [sflag:s0], s1  }
0x187: {  	s1 =	ssub.s32 @!p0 $0x0, s1;
	[sflag:s0] =	ssyncset.done @!p0 $0x0  }
0x188: {  	[sflag:s0] =	ssyncadd.s32 @!p0 s1  }
0x189: {  	[bflag:$0x3] =	sbarrier.arrive $0xFFFF  }
0x18a: {  	_ =	shalt  }

</sc_bundles>
